<compile_context>
chip_gen: v7x
topology: tpu7x:2x2x1
jax: 0.10.2.dev20260603
libtpu: 0.0.44.dev20260713+nightly
codegen_flags: <defaults>
</compile_context>

<pallas_src>
import functools

import jax
import jax.numpy as jnp
from jax import lax
from jax.experimental import pallas as pl
from jax.experimental.pallas import tpu as pltpu
from jax.experimental.pallas import tpu_sc as plsc

_D = 128
_SEG = 2048
_NSEG = 16
_SC_SEG = 8
_NC = 2
_NS = 16
_WPS = (_NC * _NS) // _SC_SEG
_ROWS_W = _SEG // _WPS
_CHUNK = 128
_LANES = 16
_UNROLL = 4
_NGRP = _D // _LANES


def _sc_segment_mean(z):
    seg_per_core = _SC_SEG // _NC
    wps_core = _NS // seg_per_core
    mesh = plsc.VectorSubcoreMesh(core_axis_name="c", subcore_axis_name="s")

    @functools.partial(
        pl.kernel,
        out_type=jax.ShapeDtypeStruct((_SC_SEG, _D), jnp.float32),
        mesh=mesh,
        scratch_types=[
            pltpu.VMEM((_CHUNK, _D), jnp.float32),
            pltpu.VMEM((_CHUNK, _D), jnp.float32),
            pltpu.VMEM((_D,), jnp.float32),
            pltpu.VMEM((_WPS, _D), jnp.float32),
            pltpu.VMEM_SHARED((_NS, _D), jnp.float32),
            pltpu.SemaphoreType.DMA,
            pltpu.SemaphoreType.DMA,
        ],
        compiler_params=pltpu.CompilerParams(
            disable_bounds_checks=True,
            disable_semaphore_checks=True,
        ),
    )
    def k(z_hbm, out_hbm, buf0, buf1, pa, pq, shared, sem0, sem1):
        c = lax.axis_index("c")
        s = lax.axis_index("s")
        seg = c * seg_per_core + s // wps_core
        row0 = seg * _SEG + (s % wps_core) * _ROWS_W

        bufs = (buf0, buf1)
        sems = (sem0, sem1)
        n_chunks = _ROWS_W // _CHUNK

        def start(i):
            return pltpu.async_copy(
                z_hbm.at[pl.ds(row0 + i * _CHUNK, _CHUNK)],
                bufs[i % 2],
                sems[i % 2],
            )

        def accumulate(buf, acc):
            def row_body(r, a):
                out = []
                for j in range(_NGRP):
                    x = [buf[r * _UNROLL + u, pl.ds(j * _LANES, _LANES)]
                         for u in range(_UNROLL)]
                    while len(x) > 1:
                        x = [x[t] + x[t + 1] for t in range(0, len(x), 2)]
                    out.append(a[j] + x[0])
                return tuple(out)

            return lax.fori_loop(0, _CHUNK // _UNROLL, row_body, acc)

        zero = jnp.zeros((_LANES,), jnp.float32)
        acc = (zero,) * _NGRP
        handles = [start(0), None]
        for i in range(n_chunks):
            if i + 1 < n_chunks:
                handles[(i + 1) % 2] = start(i + 1)
            handles[i % 2].wait()
            acc = accumulate(bufs[i % 2], acc)

        for j in range(_NGRP):
            pa[pl.ds(j * _LANES, _LANES)] = acc[j]
        pltpu.sync_copy(pa, shared.at[s])
        plsc.subcore_barrier()

        @pl.when(s < seg_per_core)
        def _():
            pltpu.sync_copy(shared.at[pl.ds(wps_core * s, _WPS)], pq)
            scale = jnp.full((_LANES,), 1.0 / _SEG, jnp.float32)
            for j in range(_NGRP):
                d = pl.ds(j * _LANES, _LANES)
                vals = [pq[u, d] for u in range(_WPS)]
                while len(vals) > 1:
                    vals = [vals[t] + vals[t + 1]
                            for t in range(0, len(vals), 2)]
                pa[d] = vals[0] * scale
            pltpu.sync_copy(pa, out_hbm.at[c * seg_per_core + s])

    return k(z)


_HALF_ROWS = _SEG // 2


def _tc_body(a_ref, b_ref, o_ref):
    ones = jnp.ones((8, _HALF_ROWS), jnp.float32)
    hi = jax.lax.Precision.HIGHEST
    y = (jax.lax.dot(ones, a_ref[...], precision=hi)
         + jax.lax.dot(ones, b_ref[...], precision=hi))
    o_ref[...] = (y[0] * (1.0 / _SEG)).reshape(1, 1, _D)


def _tc_segment_mean(z):
    n_tc = _NSEG - _SC_SEG
    out = pl.pallas_call(
        _tc_body,
        grid=(n_tc,),
        in_specs=[
            pl.BlockSpec((_HALF_ROWS, _D),
                         lambda i: (2 * (i + _SC_SEG), 0)),
            pl.BlockSpec((_HALF_ROWS, _D),
                         lambda i: (2 * (i + _SC_SEG) + 1, 0)),
        ],
        out_specs=pl.BlockSpec((1, 1, _D), lambda i: (i, 0, 0)),
        out_shape=jax.ShapeDtypeStruct((n_tc, 1, _D), jnp.float32),
    )(z, z)
    return out.reshape(n_tc, _D)


def kernel(Z_snd, splits):
    del splits
    sc_out = _sc_segment_mean(Z_snd)
    tc_out = _tc_segment_mean(Z_snd)
    return jnp.concatenate([sc_out, tc_out], axis=0)

# --- scband reference (transcript-rebuilt; emitter-appended) ---
"""Pipeline reference for scband-sound-mean-pool-3659312136397 (READ-ONLY COPY).

The authoritative reference and input builder live on the scoring server;
editing this copy changes nothing except your own understanding.
"""

import jax, jax.numpy as jnp
import numpy as np


def setup_inputs(seed: int = 0) -> dict:
    key = jax.random.key(seed)
    Z_snd = jax.random.normal(key, (32768, 128), dtype=jnp.float32)
    # splits is a plain Python int: torch.split(Z, 2048, dim=0) -> equal chunks of 2048
    return {"Z_snd": Z_snd, "splits": 2048}


def reference(Z_snd, splits):
    # torch.split with int split size -> equal-length segments; mean each; stack.
    SPLIT_SIZE = 2048  # static value always passed by setup_inputs
    n_seg = Z_snd.shape[0] // SPLIT_SIZE
    seg_ids = jnp.repeat(jnp.arange(n_seg, dtype=jnp.int32), SPLIT_SIZE)
    sums = jax.ops.segment_sum(Z_snd, seg_ids, num_segments=n_seg)
    return sums / jnp.asarray(splits).astype(jnp.float32)

if __name__ == "__main__":
    import jax
    _d = setup_inputs()
    print(jax.jit(kernel)(*tuple(_d.values())))

</pallas_src>

<mosaic_0001>
#map = affine_map<(d0, d1) -> (0, 0)>
module attributes {stable_mosaic.version = 14 : i64} {
  func.func @k(%arg0: i32, %arg1: i32, %arg2: memref<32768x128xf32, #tpu.memory_space<hbm>>, %arg3: memref<8x128xf32, #tpu.memory_space<hbm>>, %arg4: memref<128x128xf32, #tpu.memory_space<vmem>>, %arg5: memref<128x128xf32, #tpu.memory_space<vmem>>, %arg6: memref<128xf32, #tpu.memory_space<vmem>>, %arg7: memref<4x128xf32, #tpu.memory_space<vmem>>, %arg8: memref<16x128xf32, #tpu.memory_space<vmem_shared>>, %arg9: memref<!tpu.dma_semaphore, #tpu.memory_space<semaphore_mem>>, %arg10: memref<!tpu.dma_semaphore, #tpu.memory_space<semaphore_mem>>) attributes {dimension_semantics = [#tpu.dimension_semantics<core_parallel>, #tpu.dimension_semantics<subcore_parallel>], iteration_bounds = array<i64: 2, 16>, scalar_prefetch = 0 : i64, scratch_operands = 7 : i64, tpu.core_type = #tpu.core_type<sc_vector_subcore>, window_params = [{transform_indices = #map}, {transform_indices = #map}]} {
    %mul3A = arith.constant 4 : i32
    %mul3A_0 = arith.muli %arg0, %mul3A : i32
    %jit3A = arith.constant 4 : i32
    %div3A = arith.divsi %arg1, %jit3A : i32
    %sign3A = arith.constant 0 : i32
    %sign3A_1 = arith.cmpi sgt, %arg1, %sign3A : i32
    %sign3A_2 = arith.extui %sign3A_1 : i1 to i32
    %sign3A_3 = arith.constant 0 : i32
    %sign3A_4 = arith.cmpi slt, %arg1, %sign3A_3 : i32
    %sign3A_5 = arith.extui %sign3A_4 : i1 to i32
    %sign3A_6 = arith.subi %sign3A_2, %sign3A_5 : i32
    %sign3A_7 = arith.constant 0 : i32
    %sign3A_8 = arith.cmpi sgt, %jit3A, %sign3A_7 : i32
    %sign3A_9 = arith.extui %sign3A_8 : i1 to i32
    %sign3A_10 = arith.constant 0 : i32
    %sign3A_11 = arith.cmpi slt, %jit3A, %sign3A_10 : i32
    %sign3A_12 = arith.extui %sign3A_11 : i1 to i32
    %sign3A_13 = arith.subi %sign3A_9, %sign3A_12 : i32
    %ne3A = arith.cmpi ne, %sign3A_6, %sign3A_13 : i32
    %rem3A = arith.remsi %arg1, %jit3A : i32
    %ne3A_14 = arith.constant 0 : i32
    %ne3A_15 = arith.cmpi ne, %rem3A, %ne3A_14 : i32
    %and3A = arith.andi %ne3A, %ne3A_15 : i1
    %sub3A = arith.constant 1 : i32
    %sub3A_16 = arith.subi %div3A, %sub3A : i32
    %select_n3A = arith.select %and3A, %sub3A_16, %div3A : i32
    %add3A = arith.addi %mul3A_0, %select_n3A : i32
    %mul3A_17 = arith.constant 2048 : i32
    %mul3A_18 = arith.muli %add3A, %mul3A_17 : i32
    %jit3A_19 = arith.constant 4 : i32
    %eq3A = arith.constant 0 : i32
    %eq3A_20 = arith.cmpi eq, %jit3A_19, %eq3A : i32
    %jit3A_21 = arith.constant 1 : i32
    %select_n3A_22 = arith.select %eq3A_20, %jit3A_21, %jit3A_19 : i32
    %rem3A_23 = arith.remsi %arg1, %select_n3A_22 : i32
    %ne3A_24 = arith.constant 0 : i32
    %ne3A_25 = arith.cmpi ne, %rem3A_23, %ne3A_24 : i32
    %lt3A = arith.constant 0 : i32
    %lt3A_26 = arith.cmpi slt, %rem3A_23, %lt3A : i32
    %lt3A_27 = arith.constant 0 : i32
    %lt3A_28 = arith.cmpi slt, %select_n3A_22, %lt3A_27 : i32
    %ne3A_29 = arith.xori %lt3A_26, %lt3A_28 : i1
    %and3A_30 = arith.andi %ne3A_29, %ne3A_25 : i1
    %add3A_31 = arith.addi %rem3A_23, %select_n3A_22 : i32
    %select_n3A_32 = arith.select %and3A_30, %add3A_31, %rem3A_23 : i32
    %mul3A_33 = arith.constant 512 : i32
    %mul3A_34 = arith.muli %select_n3A_32, %mul3A_33 : i32
    %add3A_35 = arith.addi %mul3A_18, %mul3A_34 : i32
    %broadcast_in_dim3A = arith.constant 0.000000e+00 : f32
    %broadcast_in_dim3A_36 = vector.broadcast %broadcast_in_dim3A : f32 to vector<16xf32>
    %add3A_37 = arith.constant 0 : i32
    %add3A_38 = arith.addi %add3A_35, %add3A_37 : i32
    %dma_start3A = arith.constant 0 : i32
    %dma_start3A_39 = tpu.memref_slice %arg2[%add3A_38, %dma_start3A] : memref<32768x128xf32, #tpu.memory_space<hbm>> -> memref<128x128xf32, #tpu.memory_space<hbm>>
    %dma_start3A_40 = arith.constant 0 : i32
    %dma_start3A_41 = tpu.memref_slice %arg2[%add3A_38, %dma_start3A_40] : memref<32768x128xf32, #tpu.memory_space<hbm>> -> memref<128x128xf32, #tpu.memory_space<hbm>>
    tpu.enqueue_dma source(%dma_start3A_41 : memref<128x128xf32, #tpu.memory_space<hbm>>) target(%arg4 : memref<128x128xf32, #tpu.memory_space<vmem>>) target_semaphore(%arg9 : memref<!tpu.dma_semaphore, #tpu.memory_space<semaphore_mem>>)
    %add3A_42 = arith.constant 128 : i32
    %add3A_43 = arith.addi %add3A_35, %add3A_42 : i32
    %dma_start3A_44 = arith.constant 0 : i32
    %dma_start3A_45 = tpu.memref_slice %arg2[%add3A_43, %dma_start3A_44] : memref<32768x128xf32, #tpu.memory_space<hbm>> -> memref<128x128xf32, #tpu.memory_space<hbm>>
    %dma_start3A_46 = arith.constant 0 : i32
    %dma_start3A_47 = tpu.memref_slice %arg2[%add3A_43, %dma_start3A_46] : memref<32768x128xf32, #tpu.memory_space<hbm>> -> memref<128x128xf32, #tpu.memory_space<hbm>>
    tpu.enqueue_dma source(%dma_start3A_47 : memref<128x128xf32, #tpu.memory_space<hbm>>) target(%arg5 : memref<128x128xf32, #tpu.memory_space<vmem>>) target_semaphore(%arg10 : memref<!tpu.dma_semaphore, #tpu.memory_space<semaphore_mem>>)
    %dma_wait3A = arith.constant 0 : i32
    %dma_wait3A_48 = tpu.memref_slice %arg2[%add3A_38, %dma_wait3A] : memref<32768x128xf32, #tpu.memory_space<hbm>> -> memref<128x128xf32, #tpu.memory_space<hbm>>
    %dma_wait3A_49 = arith.constant 0 : i32
    %dma_wait3A_50 = tpu.memref_slice %arg2[%add3A_38, %dma_wait3A_49] : memref<32768x128xf32, #tpu.memory_space<hbm>> -> memref<128x128xf32, #tpu.memory_space<hbm>>
    tpu.wait_dma2 semaphore(%arg9 : memref<!tpu.dma_semaphore, #tpu.memory_space<semaphore_mem>>) src(%dma_wait3A_50 : memref<128x128xf32, #tpu.memory_space<hbm>>) dst(%arg4 : memref<128x128xf32, #tpu.memory_space<vmem>>)
    %scan3A = arith.constant 0 : i32
    %scan3A_51 = arith.constant 32 : i32
    %scan3A_52 = arith.addi %scan3A, %scan3A_51 : i32
    %scan3A_53 = arith.constant 1 : i32
    %scan3A_54:8 = scf.for %scan3A_132 = %scan3A to %scan3A_52 step %scan3A_53 iter_args(%scan3A_133 = %broadcast_in_dim3A_36, %scan3A_134 = %broadcast_in_dim3A_36, %scan3A_135 = %broadcast_in_dim3A_36, %scan3A_136 = %broadcast_in_dim3A_36, %scan3A_137 = %broadcast_in_dim3A_36, %scan3A_138 = %broadcast_in_dim3A_36, %scan3A_139 = %broadcast_in_dim3A_36, %scan3A_140 = %broadcast_in_dim3A_36) -> (vector<16xf32>, vector<16xf32>, vector<16xf32>, vector<16xf32>, vector<16xf32>, vector<16xf32>, vector<16xf32>, vector<16xf32>)  : i32 {
      %mul3A_141 = arith.constant 4 : i32
      %mul3A_142 = arith.muli %scan3A_132, %mul3A_141 : i32
      %add3A_143 = arith.constant 0 : i32
      %add3A_144 = arith.addi %mul3A_142, %add3A_143 : i32
      %get3A = arith.index_cast %add3A_144 : i32 to index
      %get3A_145 = arith.constant 0 : index
      %get3A_146 = tpu.vector_load %arg4[%get3A, %get3A_145] {strides = array<i32>} : memref<128x128xf32, #tpu.memory_space<vmem>>, vector<1x16xf32>,
      %get3A_147 = vector.shape_cast %get3A_146 : vector<1x16xf32> to vector<16xf32>
      %mul3A_148 = arith.constant 4 : i32
      %mul3A_149 = arith.muli %scan3A_132, %mul3A_148 : i32
      %add3A_150 = arith.constant 1 : i32
      %add3A_151 = arith.addi %mul3A_149, %add3A_150 : i32
      %get3A_152 = arith.index_cast %add3A_151 : i32 to index
      %get3A_153 = arith.constant 0 : index
      %get3A_154 = tpu.vector_load %arg4[%get3A_152, %get3A_153] {strides = array<i32>} : memref<128x128xf32, #tpu.memory_space<vmem>>, vector<1x16xf32>,
      %get3A_155 = vector.shape_cast %get3A_154 : vector<1x16xf32> to vector<16xf32>
      %mul3A_156 = arith.constant 4 : i32
      %mul3A_157 = arith.muli %scan3A_132, %mul3A_156 : i32
      %add3A_158 = arith.constant 2 : i32
      %add3A_159 = arith.addi %mul3A_157, %add3A_158 : i32
      %get3A_160 = arith.index_cast %add3A_159 : i32 to index
      %get3A_161 = arith.constant 0 : index
      %get3A_162 = tpu.vector_load %arg4[%get3A_160, %get3A_161] {strides = array<i32>} : memref<128x128xf32, #tpu.memory_space<vmem>>, vector<1x16xf32>,
      %get3A_163 = vector.shape_cast %get3A_162 : vector<1x16xf32> to vector<16xf32>
      %mul3A_164 = arith.constant 4 : i32
      %mul3A_165 = arith.muli %scan3A_132, %mul3A_164 : i32
      %add3A_166 = arith.constant 3 : i32
      %add3A_167 = arith.addi %mul3A_165, %add3A_166 : i32
      %get3A_168 = arith.index_cast %add3A_167 : i32 to index
      %get3A_169 = arith.constant 0 : index
      %get3A_170 = tpu.vector_load %arg4[%get3A_168, %get3A_169] {strides = array<i32>} : memref<128x128xf32, #tpu.memory_space<vmem>>, vector<1x16xf32>,
      %get3A_171 = vector.shape_cast %get3A_170 : vector<1x16xf32> to vector<16xf32>
      %add3A_172 = arith.addf %get3A_147, %get3A_155 : vector<16xf32>
      %add3A_173 = arith.addf %get3A_163, %get3A_171 : vector<16xf32>
      %add3A_174 = arith.addf %add3A_172, %add3A_173 : vector<16xf32>
      %add3A_175 = arith.addf %scan3A_133, %add3A_174 : vector<16xf32>
      %mul3A_176 = arith.constant 4 : i32
      %mul3A_177 = arith.muli %scan3A_132, %mul3A_176 : i32
      %add3A_178 = arith.constant 0 : i32
      %add3A_179 = arith.addi %mul3A_177, %add3A_178 : i32
      %get3A_180 = arith.index_cast %add3A_179 : i32 to index
      %get3A_181 = arith.constant 16 : index
      %get3A_182 = tpu.vector_load %arg4[%get3A_180, %get3A_181] {strides = array<i32>} : memref<128x128xf32, #tpu.memory_space<vmem>>, vector<1x16xf32>,
      %get3A_183 = vector.shape_cast %get3A_182 : vector<1x16xf32> to vector<16xf32>
      %mul3A_184 = arith.constant 4 : i32
      %mul3A_185 = arith.muli %scan3A_132, %mul3A_184 : i32
      %add3A_186 = arith.constant 1 : i32
      %add3A_187 = arith.addi %mul3A_185, %add3A_186 : i32
      %get3A_188 = arith.index_cast %add3A_187 : i32 to index
      %get3A_189 = arith.constant 16 : index
      %get3A_190 = tpu.vector_load %arg4[%get3A_188, %get3A_189] {strides = array<i32>} : memref<128x128xf32, #tpu.memory_space<vmem>>, vector<1x16xf32>,
      %get3A_191 = vector.shape_cast %get3A_190 : vector<1x16xf32> to vector<16xf32>
      %mul3A_192 = arith.constant 4 : i32
      %mul3A_193 = arith.muli %scan3A_132, %mul3A_192 : i32
      %add3A_194 = arith.constant 2 : i32
      %add3A_195 = arith.addi %mul3A_193, %add3A_194 : i32
      %get3A_196 = arith.index_cast %add3A_195 : i32 to index
      %get3A_197 = arith.constant 16 : index
      %get3A_198 = tpu.vector_load %arg4[%get3A_196, %get3A_197] {strides = array<i32>} : memref<128x128xf32, #tpu.memory_space<vmem>>, vector<1x16xf32>,
      %get3A_199 = vector.shape_cast %get3A_198 : vector<1x16xf32> to vector<16xf32>
      %mul3A_200 = arith.constant 4 : i32
      %mul3A_201 = arith.muli %scan3A_132, %mul3A_200 : i32
      %add3A_202 = arith.constant 3 : i32
      %add3A_203 = arith.addi %mul3A_201, %add3A_202 : i32
      %get3A_204 = arith.index_cast %add3A_203 : i32 to index
      %get3A_205 = arith.constant 16 : index
      %get3A_206 = tpu.vector_load %arg4[%get3A_204, %get3A_205] {strides = array<i32>} : memref<128x128xf32, #tpu.memory_space<vmem>>, vector<1x16xf32>,
      %get3A_207 = vector.shape_cast %get3A_206 : vector<1x16xf32> to vector<16xf32>
      %add3A_208 = arith.addf %get3A_183, %get3A_191 : vector<16xf32>
      %add3A_209 = arith.addf %get3A_199, %get3A_207 : vector<16xf32>
      %add3A_210 = arith.addf %add3A_208, %add3A_209 : vector<16xf32>
      %add3A_211 = arith.addf %scan3A_134, %add3A_210 : vector<16xf32>
      %mul3A_212 = arith.constant 4 : i32
      %mul3A_213 = arith.muli %scan3A_132, %mul3A_212 : i32
      %add3A_214 = arith.constant 0 : i32
      %add3A_215 = arith.addi %mul3A_213, %add3A_214 : i32
      %get3A_216 = arith.index_cast %add3A_215 : i32 to index
      %get3A_217 = arith.constant 32 : index
      %get3A_218 = tpu.vector_load %arg4[%get3A_216, %get3A_217] {strides = array<i32>} : memref<128x128xf32, #tpu.memory_space<vmem>>, vector<1x16xf32>,
      %get3A_219 = vector.shape_cast %get3A_218 : vector<1x16xf32> to vector<16xf32>
      %mul3A_220 = arith.constant 4 : i32
      %mul3A_221 = arith.muli %scan3A_132, %mul3A_220 : i32
      %add3A_222 = arith.constant 1 : i32
      %add3A_223 = arith.addi %mul3A_221, %add3A_222 : i32
      %get3A_224 = arith.index_cast %add3A_223 : i32 to index
      %get3A_225 = arith.constant 32 : index
      %get3A_226 = tpu.vector_load %arg4[%get3A_224, %get3A_225] {strides = array<i32>} : memref<128x128xf32, #tpu.memory_space<vmem>>, vector<1x16xf32>,
      %get3A_227 = vector.shape_cast %get3A_226 : vector<1x16xf32> to vector<16xf32>
      %mul3A_228 = arith.constant 4 : i32
      %mul3A_229 = arith.muli %scan3A_132, %mul3A_228 : i32
      %add3A_230 = arith.constant 2 : i32
      %add3A_231 = arith.addi %mul3A_229, %add3A_230 : i32
      %get3A_232 = arith.index_cast %add3A_231 : i32 to index
      %get3A_233 = arith.constant 32 : index
      %get3A_234 = tpu.vector_load %arg4[%get3A_232, %get3A_233] {strides = array<i32>} : memref<128x128xf32, #tpu.memory_space<vmem>>, vector<1x16xf32>,
      %get3A_235 = vector.shape_cast %get3A_234 : vector<1x16xf32> to vector<16xf32>
      %mul3A_236 = arith.constant 4 : i32
      %mul3A_237 = arith.muli %scan3A_132, %mul3A_236 : i32
      %add3A_238 = arith.constant 3 : i32
      %add3A_239 = arith.addi %mul3A_237, %add3A_238 : i32
      %get3A_240 = arith.index_cast %add3A_239 : i32 to index
      %get3A_241 = arith.constant 32 : index
      %get3A_242 = tpu.vector_load %arg4[%get3A_240, %get3A_241] {strides = array<i32>} : memref<128x128xf32, #tpu.memory_space<vmem>>, vector<1x16xf32>,
      %get3A_243 = vector.shape_cast %get3A_242 : vector<1x16xf32> to vector<16xf32>
      %add3A_244 = arith.addf %get3A_219, %get3A_227 : vector<16xf32>
      %add3A_245 = arith.addf %get3A_235, %get3A_243 : vector<16xf32>
      %add3A_246 = arith.addf %add3A_244, %add3A_245 : vector<16xf32>
      %add3A_247 = arith.addf %scan3A_135, %add3A_246 : vector<16xf32>
      %mul3A_248 = arith.constant 4 : i32
      %mul3A_249 = arith.muli %scan3A_132, %mul3A_248 : i32
      %add3A_250 = arith.constant 0 : i32
      %add3A_251 = arith.addi %mul3A_249, %add3A_250 : i32
      %get3A_252 = arith.index_cast %add3A_251 : i32 to index
      %get3A_253 = arith.constant 48 : index
      %get3A_254 = tpu.vector_load %arg4[%get3A_252, %get3A_253] {strides = array<i32>} : memref<128x128xf32, #tpu.memory_space<vmem>>, vector<1x16xf32>,
      %get3A_255 = vector.shape_cast %get3A_254 : vector<1x16xf32> to vector<16xf32>
      %mul3A_256 = arith.constant 4 : i32
      %mul3A_257 = arith.muli %scan3A_132, %mul3A_256 : i32
      %add3A_258 = arith.constant 1 : i32
      %add3A_259 = arith.addi %mul3A_257, %add3A_258 : i32
      %get3A_260 = arith.index_cast %add3A_259 : i32 to index
      %get3A_261 = arith.constant 48 : index
      %get3A_262 = tpu.vector_load %arg4[%get3A_260, %get3A_261] {strides = array<i32>} : memref<128x128xf32, #tpu.memory_space<vmem>>, vector<1x16xf32>,
      %get3A_263 = vector.shape_cast %get3A_262 : vector<1x16xf32> to vector<16xf32>
      %mul3A_264 = arith.constant 4 : i32
      %mul3A_265 = arith.muli %scan3A_132, %mul3A_264 : i32
      %add3A_266 = arith.constant 2 : i32
      %add3A_267 = arith.addi %mul3A_265, %add3A_266 : i32
      %get3A_268 = arith.index_cast %add3A_267 : i32 to index
      %get3A_269 = arith.constant 48 : index
      %get3A_270 = tpu.vector_load %arg4[%get3A_268, %get3A_269] {strides = array<i32>} : memref<128x128xf32, #tpu.memory_space<vmem>>, vector<1x16xf32>,
      %get3A_271 = vector.shape_cast %get3A_270 : vector<1x16xf32> to vector<16xf32>
      %mul3A_272 = arith.constant 4 : i32
      %mul3A_273 = arith.muli %scan3A_132, %mul3A_272 : i32
      %add3A_274 = arith.constant 3 : i32
      %add3A_275 = arith.addi %mul3A_273, %add3A_274 : i32
      %get3A_276 = arith.index_cast %add3A_275 : i32 to index
      %get3A_277 = arith.constant 48 : index
      %get3A_278 = tpu.vector_load %arg4[%get3A_276, %get3A_277] {strides = array<i32>} : memref<128x128xf32, #tpu.memory_space<vmem>>, vector<1x16xf32>,
      %get3A_279 = vector.shape_cast %get3A_278 : vector<1x16xf32> to vector<16xf32>
      %add3A_280 = arith.addf %get3A_255, %get3A_263 : vector<16xf32>
      %add3A_281 = arith.addf %get3A_271, %get3A_279 : vector<16xf32>
      %add3A_282 = arith.addf %add3A_280, %add3A_281 : vector<16xf32>
      %add3A_283 = arith.addf %scan3A_136, %add3A_282 : vector<16xf32>
      %mul3A_284 = arith.constant 4 : i32
      %mul3A_285 = arith.muli %scan3A_132, %mul3A_284 : i32
      %add3A_286 = arith.constant 0 : i32
      %add3A_287 = arith.addi %mul3A_285, %add3A_286 : i32
      %get3A_288 = arith.index_cast %add3A_287 : i32 to index
      %get3A_289 = arith.constant 64 : index
      %get3A_290 = tpu.vector_load %arg4[%get3A_288, %get3A_289] {strides = array<i32>} : memref<128x128xf32, #tpu.memory_space<vmem>>, vector<1x16xf32>,
      %get3A_291 = vector.shape_cast %get3A_290 : vector<1x16xf32> to vector<16xf32>
      %mul3A_292 = arith.constant 4 : i32
      %mul3A_293 = arith.muli %scan3A_132, %mul3A_292 : i32
      %add3A_294 = arith.constant 1 : i32
      %add3A_295 = arith.addi %mul3A_293, %add3A_294 : i32
      %get3A_296 = arith.index_cast %add3A_295 : i32 to index
      %get3A_297 = arith.constant 64 : index
      %get3A_298 = tpu.vector_load %arg4[%get3A_296, %get3A_297] {strides = array<i32>} : memref<128x128xf32, #tpu.memory_space<vmem>>, vector<1x16xf32>,
      %get3A_299 = vector.shape_cast %get3A_298 : vector<1x16xf32> to vector<16xf32>
      %mul3A_300 = arith.constant 4 : i32
      %mul3A_301 = arith.muli %scan3A_132, %mul3A_300 : i32
      %add3A_302 = arith.constant 2 : i32
      %add3A_303 = arith.addi %mul3A_301, %add3A_302 : i32
      %get3A_304 = arith.index_cast %add3A_303 : i32 to index
      %get3A_305 = arith.constant 64 : index
      %get3A_306 = tpu.vector_load %arg4[%get3A_304, %get3A_305] {strides = array<i32>} : memref<128x128xf32, #tpu.memory_space<vmem>>, vector<1x16xf32>,
      %get3A_307 = vector.shape_cast %get3A_306 : vector<1x16xf32> to vector<16xf32>
      %mul3A_308 = arith.constant 4 : i32
      %mul3A_309 = arith.muli %scan3A_132, %mul3A_308 : i32
      %add3A_310 = arith.constant 3 : i32
      %add3A_311 = arith.addi %mul3A_309, %add3A_310 : i32
      %get3A_312 = arith.index_cast %add3A_311 : i32 to index
      %get3A_313 = arith.constant 64 : index
      %get3A_314 = tpu.vector_load %arg4[%get3A_312, %get3A_313] {strides = array<i32>} : memref<128x128xf32, #tpu.memory_space<vmem>>, vector<1x16xf32>,
      %get3A_315 = vector.shape_cast %get3A_314 : vector<1x16xf32> to vector<16xf32>
      %add3A_316 = arith.addf %get3A_291, %get3A_299 : vector<16xf32>
      %add3A_317 = arith.addf %get3A_307, %get3A_315 : vector<16xf32>
      %add3A_318 = arith.addf %add3A_316, %add3A_317 : vector<16xf32>
      %add3A_319 = arith.addf %scan3A_137, %add3A_318 : vector<16xf32>
      %mul3A_320 = arith.constant 4 : i32
      %mul3A_321 = arith.muli %scan3A_132, %mul3A_320 : i32
      %add3A_322 = arith.constant 0 : i32
      %add3A_323 = arith.addi %mul3A_321, %add3A_322 : i32
      %get3A_324 = arith.index_cast %add3A_323 : i32 to index
      %get3A_325 = arith.constant 80 : index
      %get3A_326 = tpu.vector_load %arg4[%get3A_324, %get3A_325] {strides = array<i32>} : memref<128x128xf32, #tpu.memory_space<vmem>>, vector<1x16xf32>,
      %get3A_327 = vector.shape_cast %get3A_326 : vector<1x16xf32> to vector<16xf32>
      %mul3A_328 = arith.constant 4 : i32
      %mul3A_329 = arith.muli %scan3A_132, %mul3A_328 : i32
      %add3A_330 = arith.constant 1 : i32
      %add3A_331 = arith.addi %mul3A_329, %add3A_330 : i32
      %get3A_332 = arith.index_cast %add3A_331 : i32 to index
      %get3A_333 = arith.constant 80 : index
      %get3A_334 = tpu.vector_load %arg4[%get3A_332, %get3A_333] {strides = array<i32>} : memref<128x128xf32, #tpu.memory_space<vmem>>, vector<1x16xf32>,
      %get3A_335 = vector.shape_cast %get3A_334 : vector<1x16xf32> to vector<16xf32>
      %mul3A_336 = arith.constant 4 : i32
      %mul3A_337 = arith.muli %scan3A_132, %mul3A_336 : i32
      %add3A_338 = arith.constant 2 : i32
      %add3A_339 = arith.addi %mul3A_337, %add3A_338 : i32
      %get3A_340 = arith.index_cast %add3A_339 : i32 to index
      %get3A_341 = arith.constant 80 : index
      %get3A_342 = tpu.vector_load %arg4[%get3A_340, %get3A_341] {strides = array<i32>} : memref<128x128xf32, #tpu.memory_space<vmem>>, vector<1x16xf32>,
      %get3A_343 = vector.shape_cast %get3A_342 : vector<1x16xf32> to vector<16xf32>
      %mul3A_344 = arith.constant 4 : i32
      %mul3A_345 = arith.muli %scan3A_132, %mul3A_344 : i32
      %add3A_346 = arith.constant 3 : i32
      %add3A_347 = arith.addi %mul3A_345, %add3A_346 : i32
      %get3A_348 = arith.index_cast %add3A_347 : i32 to index
      %get3A_349 = arith.constant 80 : index
      %get3A_350 = tpu.vector_load %arg4[%get3A_348, %get3A_349] {strides = array<i32>} : memref<128x128xf32, #tpu.memory_space<vmem>>, vector<1x16xf32>,
      %get3A_351 = vector.shape_cast %get3A_350 : vector<1x16xf32> to vector<16xf32>
      %add3A_352 = arith.addf %get3A_327, %get3A_335 : vector<16xf32>
      %add3A_353 = arith.addf %get3A_343, %get3A_351 : vector<16xf32>
      %add3A_354 = arith.addf %add3A_352, %add3A_353 : vector<16xf32>
      %add3A_355 = arith.addf %scan3A_138, %add3A_354 : vector<16xf32>
      %mul3A_356 = arith.constant 4 : i32
      %mul3A_357 = arith.muli %scan3A_132, %mul3A_356 : i32
      %add3A_358 = arith.constant 0 : i32
      %add3A_359 = arith.addi %mul3A_357, %add3A_358 : i32
      %get3A_360 = arith.index_cast %add3A_359 : i32 to index
      %get3A_361 = arith.constant 96 : index
      %get3A_362 = tpu.vector_load %arg4[%get3A_360, %get3A_361] {strides = array<i32>} : memref<128x128xf32, #tpu.memory_space<vmem>>, vector<1x16xf32>,
      %get3A_363 = vector.shape_cast %get3A_362 : vector<1x16xf32> to vector<16xf32>
      %mul3A_364 = arith.constant 4 : i32
      %mul3A_365 = arith.muli %scan3A_132, %mul3A_364 : i32
      %add3A_366 = arith.constant 1 : i32
      %add3A_367 = arith.addi %mul3A_365, %add3A_366 : i32
      %get3A_368 = arith.index_cast %add3A_367 : i32 to index
      %get3A_369 = arith.constant 96 : index
      %get3A_370 = tpu.vector_load %arg4[%get3A_368, %get3A_369] {strides = array<i32>} : memref<128x128xf32, #tpu.memory_space<vmem>>, vector<1x16xf32>,
      %get3A_371 = vector.shape_cast %get3A_370 : vector<1x16xf32> to vector<16xf32>
      %mul3A_372 = arith.constant 4 : i32
      %mul3A_373 = arith.muli %scan3A_132, %mul3A_372 : i32
      %add3A_374 = arith.constant 2 : i32
      %add3A_375 = arith.addi %mul3A_373, %add3A_374 : i32
      %get3A_376 = arith.index_cast %add3A_375 : i32 to index
      %get3A_377 = arith.constant 96 : index
      %get3A_378 = tpu.vector_load %arg4[%get3A_376, %get3A_377] {strides = array<i32>} : memref<128x128xf32, #tpu.memory_space<vmem>>, vector<1x16xf32>,
      %get3A_379 = vector.shape_cast %get3A_378 : vector<1x16xf32> to vector<16xf32>
      %mul3A_380 = arith.constant 4 : i32
      %mul3A_381 = arith.muli %scan3A_132, %mul3A_380 : i32
      %add3A_382 = arith.constant 3 : i32
      %add3A_383 = arith.addi %mul3A_381, %add3A_382 : i32
      %get3A_384 = arith.index_cast %add3A_383 : i32 to index
      %get3A_385 = arith.constant 96 : index
      %get3A_386 = tpu.vector_load %arg4[%get3A_384, %get3A_385] {strides = array<i32>} : memref<128x128xf32, #tpu.memory_space<vmem>>, vector<1x16xf32>,
      %get3A_387 = vector.shape_cast %get3A_386 : vector<1x16xf32> to vector<16xf32>
      %add3A_388 = arith.addf %get3A_363, %get3A_371 : vector<16xf32>
      %add3A_389 = arith.addf %get3A_379, %get3A_387 : vector<16xf32>
      %add3A_390 = arith.addf %add3A_388, %add3A_389 : vector<16xf32>
      %add3A_391 = arith.addf %scan3A_139, %add3A_390 : vector<16xf32>
      %mul3A_392 = arith.constant 4 : i32
      %mul3A_393 = arith.muli %scan3A_132, %mul3A_392 : i32
      %add3A_394 = arith.constant 0 : i32
      %add3A_395 = arith.addi %mul3A_393, %add3A_394 : i32
      %get3A_396 = arith.index_cast %add3A_395 : i32 to index
      %get3A_397 = arith.constant 112 : index
      %get3A_398 = tpu.vector_load %arg4[%get3A_396, %get3A_397] {strides = array<i32>} : memref<128x128xf32, #tpu.memory_space<vmem>>, vector<1x16xf32>,
      %get3A_399 = vector.shape_cast %get3A_398 : vector<1x16xf32> to vector<16xf32>
      %mul3A_400 = arith.constant 4 : i32
      %mul3A_401 = arith.muli %scan3A_132, %mul3A_400 : i32
      %add3A_402 = arith.constant 1 : i32
      %add3A_403 = arith.addi %mul3A_401, %add3A_402 : i32
      %get3A_404 = arith.index_cast %add3A_403 : i32 to index
      %get3A_405 = arith.constant 112 : index
      %get3A_406 = tpu.vector_load %arg4[%get3A_404, %get3A_405] {strides = array<i32>} : memref<128x128xf32, #tpu.memory_space<vmem>>, vector<1x16xf32>,
      %get3A_407 = vector.shape_cast %get3A_406 : vector<1x16xf32> to vector<16xf32>
      %mul3A_408 = arith.constant 4 : i32
      %mul3A_409 = arith.muli %scan3A_132, %mul3A_408 : i32
      %add3A_410 = arith.constant 2 : i32
      %add3A_411 = arith.addi %mul3A_409, %add3A_410 : i32
      %get3A_412 = arith.index_cast %add3A_411 : i32 to index
      %get3A_413 = arith.constant 112 : index
      %get3A_414 = tpu.vector_load %arg4[%get3A_412, %get3A_413] {strides = array<i32>} : memref<128x128xf32, #tpu.memory_space<vmem>>, vector<1x16xf32>,
      %get3A_415 = vector.shape_cast %get3A_414 : vector<1x16xf32> to vector<16xf32>
      %mul3A_416 = arith.constant 4 : i32
      %mul3A_417 = arith.muli %scan3A_132, %mul3A_416 : i32
      %add3A_418 = arith.constant 3 : i32
      %add3A_419 = arith.addi %mul3A_417, %add3A_418 : i32
      %get3A_420 = arith.index_cast %add3A_419 : i32 to index
      %get3A_421 = arith.constant 112 : index
      %get3A_422 = tpu.vector_load %arg4[%get3A_420, %get3A_421] {strides = array<i32>} : memref<128x128xf32, #tpu.memory_space<vmem>>, vector<1x16xf32>,
      %get3A_423 = vector.shape_cast %get3A_422 : vector<1x16xf32> to vector<16xf32>
      %add3A_424 = arith.addf %get3A_399, %get3A_407 : vector<16xf32>
      %add3A_425 = arith.addf %get3A_415, %get3A_423 : vector<16xf32>
      %add3A_426 = arith.addf %add3A_424, %add3A_425 : vector<16xf32>
      %add3A_427 = arith.addf %scan3A_140, %add3A_426 : vector<16xf32>
      scf.yield %add3A_175, %add3A_211, %add3A_247, %add3A_283, %add3A_319, %add3A_355, %add3A_391, %add3A_427 : vector<16xf32>, vector<16xf32>, vector<16xf32>, vector<16xf32>, vector<16xf32>, vector<16xf32>, vector<16xf32>, vector<16xf32>
    }
    %scan3A_55 = arith.constant 32 : i32
    %add3A_56 = arith.constant 256 : i32
    %add3A_57 = arith.addi %add3A_35, %add3A_56 : i32
    %dma_start3A_58 = arith.constant 0 : i32
    %dma_start3A_59 = tpu.memref_slice %arg2[%add3A_57, %dma_start3A_58] : memref<32768x128xf32, #tpu.memory_space<hbm>> -> memref<128x128xf32, #tpu.memory_space<hbm>>
    %dma_start3A_60 = arith.constant 0 : i32
    %dma_start3A_61 = tpu.memref_slice %arg2[%add3A_57, %dma_start3A_60] : memref<32768x128xf32, #tpu.memory_space<hbm>> -> memref<128x128xf32, #tpu.memory_space<hbm>>
    tpu.enqueue_dma source(%dma_start3A_61 : memref<128x128xf32, #tpu.memory_space<hbm>>) target(%arg4 : memref<128x128xf32, #tpu.memory_space<vmem>>) target_semaphore(%arg9 : memref<!tpu.dma_semaphore, #tpu.memory_space<semaphore_mem>>)
    %dma_wait3A_62 = arith.constant 0 : i32
    %dma_wait3A_63 = tpu.memref_slice %arg2[%add3A_43, %dma_wait3A_62] : memref<32768x128xf32, #tpu.memory_space<hbm>> -> memref<128x128xf32, #tpu.memory_space<hbm>>
    %dma_wait3A_64 = arith.constant 0 : i32
    %dma_wait3A_65 = tpu.memref_slice %arg2[%add3A_43, %dma_wait3A_64] : memref<32768x128xf32, #tpu.memory_space<hbm>> -> memref<128x128xf32, #tpu.memory_space<hbm>>
    tpu.wait_dma2 semaphore(%arg10 : memref<!tpu.dma_semaphore, #tpu.memory_space<semaphore_mem>>) src(%dma_wait3A_65 : memref<128x128xf32, #tpu.memory_space<hbm>>) dst(%arg5 : memref<128x128xf32, #tpu.memory_space<vmem>>)
    %scan3A_66 = arith.constant 0 : i32
    %scan3A_67 = arith.constant 32 : i32
    %scan3A_68 = arith.addi %scan3A_66, %scan3A_67 : i32
    %scan3A_69 = arith.constant 1 : i32
    %scan3A_70:8 = scf.for %scan3A_132 = %scan3A_66 to %scan3A_68 step %scan3A_69 iter_args(%scan3A_133 = %scan3A_54#0, %scan3A_134 = %scan3A_54#1, %scan3A_135 = %scan3A_54#2, %scan3A_136 = %scan3A_54#3, %scan3A_137 = %scan3A_54#4, %scan3A_138 = %scan3A_54#5, %scan3A_139 = %scan3A_54#6, %scan3A_140 = %scan3A_54#7) -> (vector<16xf32>, vector<16xf32>, vector<16xf32>, vector<16xf32>, vector<16xf32>, vector<16xf32>, vector<16xf32>, vector<16xf32>)  : i32 {
      %mul3A_141 = arith.constant 4 : i32
      %mul3A_142 = arith.muli %scan3A_132, %mul3A_141 : i32
      %add3A_143 = arith.constant 0 : i32
      %add3A_144 = arith.addi %mul3A_142, %add3A_143 : i32
      %get3A = arith.index_cast %add3A_144 : i32 to index
      %get3A_145 = arith.constant 0 : index
      %get3A_146 = tpu.vector_load %arg5[%get3A, %get3A_145] {strides = array<i32>} : memref<128x128xf32, #tpu.memory_space<vmem>>, vector<1x16xf32>,
      %get3A_147 = vector.shape_cast %get3A_146 : vector<1x16xf32> to vector<16xf32>
      %mul3A_148 = arith.constant 4 : i32
      %mul3A_149 = arith.muli %scan3A_132, %mul3A_148 : i32
      %add3A_150 = arith.constant 1 : i32
      %add3A_151 = arith.addi %mul3A_149, %add3A_150 : i32
      %get3A_152 = arith.index_cast %add3A_151 : i32 to index
      %get3A_153 = arith.constant 0 : index
      %get3A_154 = tpu.vector_load %arg5[%get3A_152, %get3A_153] {strides = array<i32>} : memref<128x128xf32, #tpu.memory_space<vmem>>, vector<1x16xf32>,
      %get3A_155 = vector.shape_cast %get3A_154 : vector<1x16xf32> to vector<16xf32>
      %mul3A_156 = arith.constant 4 : i32
      %mul3A_157 = arith.muli %scan3A_132, %mul3A_156 : i32
      %add3A_158 = arith.constant 2 : i32
      %add3A_159 = arith.addi %mul3A_157, %add3A_158 : i32
      %get3A_160 = arith.index_cast %add3A_159 : i32 to index
      %get3A_161 = arith.constant 0 : index
      %get3A_162 = tpu.vector_load %arg5[%get3A_160, %get3A_161] {strides = array<i32>} : memref<128x128xf32, #tpu.memory_space<vmem>>, vector<1x16xf32>,
      %get3A_163 = vector.shape_cast %get3A_162 : vector<1x16xf32> to vector<16xf32>
      %mul3A_164 = arith.constant 4 : i32
      %mul3A_165 = arith.muli %scan3A_132, %mul3A_164 : i32
      %add3A_166 = arith.constant 3 : i32
      %add3A_167 = arith.addi %mul3A_165, %add3A_166 : i32
      %get3A_168 = arith.index_cast %add3A_167 : i32 to index
      %get3A_169 = arith.constant 0 : index
      %get3A_170 = tpu.vector_load %arg5[%get3A_168, %get3A_169] {strides = array<i32>} : memref<128x128xf32, #tpu.memory_space<vmem>>, vector<1x16xf32>,
      %get3A_171 = vector.shape_cast %get3A_170 : vector<1x16xf32> to vector<16xf32>
      %add3A_172 = arith.addf %get3A_147, %get3A_155 : vector<16xf32>
      %add3A_173 = arith.addf %get3A_163, %get3A_171 : vector<16xf32>
      %add3A_174 = arith.addf %add3A_172, %add3A_173 : vector<16xf32>
      %add3A_175 = arith.addf %scan3A_133, %add3A_174 : vector<16xf32>
      %mul3A_176 = arith.constant 4 : i32
      %mul3A_177 = arith.muli %scan3A_132, %mul3A_176 : i32
      %add3A_178 = arith.constant 0 : i32
      %add3A_179 = arith.addi %mul3A_177, %add3A_178 : i32
      %get3A_180 = arith.index_cast %add3A_179 : i32 to index
      %get3A_181 = arith.constant 16 : index
      %get3A_182 = tpu.vector_load %arg5[%get3A_180, %get3A_181] {strides = array<i32>} : memref<128x128xf32, #tpu.memory_space<vmem>>, vector<1x16xf32>,
      %get3A_183 = vector.shape_cast %get3A_182 : vector<1x16xf32> to vector<16xf32>
      %mul3A_184 = arith.constant 4 : i32
      %mul3A_185 = arith.muli %scan3A_132, %mul3A_184 : i32
      %add3A_186 = arith.constant 1 : i32
      %add3A_187 = arith.addi %mul3A_185, %add3A_186 : i32
      %get3A_188 = arith.index_cast %add3A_187 : i32 to index
      %get3A_189 = arith.constant 16 : index
      %get3A_190 = tpu.vector_load %arg5[%get3A_188, %get3A_189] {strides = array<i32>} : memref<128x128xf32, #tpu.memory_space<vmem>>, vector<1x16xf32>,
      %get3A_191 = vector.shape_cast %get3A_190 : vector<1x16xf32> to vector<16xf32>
      %mul3A_192 = arith.constant 4 : i32
      %mul3A_193 = arith.muli %scan3A_132, %mul3A_192 : i32
      %add3A_194 = arith.constant 2 : i32
      %add3A_195 = arith.addi %mul3A_193, %add3A_194 : i32
      %get3A_196 = arith.index_cast %add3A_195 : i32 to index
      %get3A_197 = arith.constant 16 : index
      %get3A_198 = tpu.vector_load %arg5[%get3A_196, %get3A_197] {strides = array<i32>} : memref<128x128xf32, #tpu.memory_space<vmem>>, vector<1x16xf32>,
      %get3A_199 = vector.shape_cast %get3A_198 : vector<1x16xf32> to vector<16xf32>
      %mul3A_200 = arith.constant 4 : i32
      %mul3A_201 = arith.muli %scan3A_132, %mul3A_200 : i32
      %add3A_202 = arith.constant 3 : i32
      %add3A_203 = arith.addi %mul3A_201, %add3A_202 : i32
      %get3A_204 = arith.index_cast %add3A_203 : i32 to index
      %get3A_205 = arith.constant 16 : index
      %get3A_206 = tpu.vector_load %arg5[%get3A_204, %get3A_205] {strides = array<i32>} : memref<128x128xf32, #tpu.memory_space<vmem>>, vector<1x16xf32>,
      %get3A_207 = vector.shape_cast %get3A_206 : vector<1x16xf32> to vector<16xf32>
      %add3A_208 = arith.addf %get3A_183, %get3A_191 : vector<16xf32>
      %add3A_209 = arith.addf %get3A_199, %get3A_207 : vector<16xf32>
      %add3A_210 = arith.addf %add3A_208, %add3A_209 : vector<16xf32>
      %add3A_211 = arith.addf %scan3A_134, %add3A_210 : vector<16xf32>
      %mul3A_212 = arith.constant 4 : i32
      %mul3A_213 = arith.muli %scan3A_132, %mul3A_212 : i32
      %add3A_214 = arith.constant 0 : i32
      %add3A_215 = arith.addi %mul3A_213, %add3A_214 : i32
      %get3A_216 = arith.index_cast %add3A_215 : i32 to index
      %get3A_217 = arith.constant 32 : index
      %get3A_218 = tpu.vector_load %arg5[%get3A_216, %get3A_217] {strides = array<i32>} : memref<128x128xf32, #tpu.memory_space<vmem>>, vector<1x16xf32>,
      %get3A_219 = vector.shape_cast %get3A_218 : vector<1x16xf32> to vector<16xf32>
      %mul3A_220 = arith.constant 4 : i32
      %mul3A_221 = arith.muli %scan3A_132, %mul3A_220 : i32
      %add3A_222 = arith.constant 1 : i32
      %add3A_223 = arith.addi %mul3A_221, %add3A_222 : i32
      %get3A_224 = arith.index_cast %add3A_223 : i32 to index
      %get3A_225 = arith.constant 32 : index
      %get3A_226 = tpu.vector_load %arg5[%get3A_224, %get3A_225] {strides = array<i32>} : memref<128x128xf32, #tpu.memory_space<vmem>>, vector<1x16xf32>,
      %get3A_227 = vector.shape_cast %get3A_226 : vector<1x16xf32> to vector<16xf32>
      %mul3A_228 = arith.constant 4 : i32
      %mul3A_229 = arith.muli %scan3A_132, %mul3A_228 : i32
      %add3A_230 = arith.constant 2 : i32
      %add3A_231 = arith.addi %mul3A_229, %add3A_230 : i32
      %get3A_232 = arith.index_cast %add3A_231 : i32 to index
      %get3A_233 = arith.constant 32 : index
      %get3A_234 = tpu.vector_load %arg5[%get3A_232, %get3A_233] {strides = array<i32>} : memref<128x128xf32, #tpu.memory_space<vmem>>, vector<1x16xf32>,
      %get3A_235 = vector.shape_cast %get3A_234 : vector<1x16xf32> to vector<16xf32>
      %mul3A_236 = arith.constant 4 : i32
      %mul3A_237 = arith.muli %scan3A_132, %mul3A_236 : i32
      %add3A_238 = arith.constant 3 : i32
      %add3A_239 = arith.addi %mul3A_237, %add3A_238 : i32
      %get3A_240 = arith.index_cast %add3A_239 : i32 to index
      %get3A_241 = arith.constant 32 : index
      %get3A_242 = tpu.vector_load %arg5[%get3A_240, %get3A_241] {strides = array<i32>} : memref<128x128xf32, #tpu.memory_space<vmem>>, vector<1x16xf32>,
      %get3A_243 = vector.shape_cast %get3A_242 : vector<1x16xf32> to vector<16xf32>
      %add3A_244 = arith.addf %get3A_219, %get3A_227 : vector<16xf32>
      %add3A_245 = arith.addf %get3A_235, %get3A_243 : vector<16xf32>
      %add3A_246 = arith.addf %add3A_244, %add3A_245 : vector<16xf32>
      %add3A_247 = arith.addf %scan3A_135, %add3A_246 : vector<16xf32>
      %mul3A_248 = arith.constant 4 : i32
      %mul3A_249 = arith.muli %scan3A_132, %mul3A_248 : i32
      %add3A_250 = arith.constant 0 : i32
      %add3A_251 = arith.addi %mul3A_249, %add3A_250 : i32
      %get3A_252 = arith.index_cast %add3A_251 : i32 to index
      %get3A_253 = arith.constant 48 : index
      %get3A_254 = tpu.vector_load %arg5[%get3A_252, %get3A_253] {strides = array<i32>} : memref<128x128xf32, #tpu.memory_space<vmem>>, vector<1x16xf32>,
      %get3A_255 = vector.shape_cast %get3A_254 : vector<1x16xf32> to vector<16xf32>
      %mul3A_256 = arith.constant 4 : i32
      %mul3A_257 = arith.muli %scan3A_132, %mul3A_256 : i32
      %add3A_258 = arith.constant 1 : i32
      %add3A_259 = arith.addi %mul3A_257, %add3A_258 : i32
      %get3A_260 = arith.index_cast %add3A_259 : i32 to index
      %get3A_261 = arith.constant 48 : index
      %get3A_262 = tpu.vector_load %arg5[%get3A_260, %get3A_261] {strides = array<i32>} : memref<128x128xf32, #tpu.memory_space<vmem>>, vector<1x16xf32>,
      %get3A_263 = vector.shape_cast %get3A_262 : vector<1x16xf32> to vector<16xf32>
      %mul3A_264 = arith.constant 4 : i32
      %mul3A_265 = arith.muli %scan3A_132, %mul3A_264 : i32
      %add3A_266 = arith.constant 2 : i32
      %add3A_267 = arith.addi %mul3A_265, %add3A_266 : i32
      %get3A_268 = arith.index_cast %add3A_267 : i32 to index
      %get3A_269 = arith.constant 48 : index
      %get3A_270 = tpu.vector_load %arg5[%get3A_268, %get3A_269] {strides = array<i32>} : memref<128x128xf32, #tpu.memory_space<vmem>>, vector<1x16xf32>,
      %get3A_271 = vector.shape_cast %get3A_270 : vector<1x16xf32> to vector<16xf32>
      %mul3A_272 = arith.constant 4 : i32
      %mul3A_273 = arith.muli %scan3A_132, %mul3A_272 : i32
      %add3A_274 = arith.constant 3 : i32
      %add3A_275 = arith.addi %mul3A_273, %add3A_274 : i32
      %get3A_276 = arith.index_cast %add3A_275 : i32 to index
      %get3A_277 = arith.constant 48 : index
      %get3A_278 = tpu.vector_load %arg5[%get3A_276, %get3A_277] {strides = array<i32>} : memref<128x128xf32, #tpu.memory_space<vmem>>, vector<1x16xf32>,
      %get3A_279 = vector.shape_cast %get3A_278 : vector<1x16xf32> to vector<16xf32>
      %add3A_280 = arith.addf %get3A_255, %get3A_263 : vector<16xf32>
      %add3A_281 = arith.addf %get3A_271, %get3A_279 : vector<16xf32>
      %add3A_282 = arith.addf %add3A_280, %add3A_281 : vector<16xf32>
      %add3A_283 = arith.addf %scan3A_136, %add3A_282 : vector<16xf32>
      %mul3A_284 = arith.constant 4 : i32
      %mul3A_285 = arith.muli %scan3A_132, %mul3A_284 : i32
      %add3A_286 = arith.constant 0 : i32
      %add3A_287 = arith.addi %mul3A_285, %add3A_286 : i32
      %get3A_288 = arith.index_cast %add3A_287 : i32 to index
      %get3A_289 = arith.constant 64 : index
      %get3A_290 = tpu.vector_load %arg5[%get3A_288, %get3A_289] {strides = array<i32>} : memref<128x128xf32, #tpu.memory_space<vmem>>, vector<1x16xf32>,
      %get3A_291 = vector.shape_cast %get3A_290 : vector<1x16xf32> to vector<16xf32>
      %mul3A_292 = arith.constant 4 : i32
      %mul3A_293 = arith.muli %scan3A_132, %mul3A_292 : i32
      %add3A_294 = arith.constant 1 : i32
      %add3A_295 = arith.addi %mul3A_293, %add3A_294 : i32
      %get3A_296 = arith.index_cast %add3A_295 : i32 to index
      %get3A_297 = arith.constant 64 : index
      %get3A_298 = tpu.vector_load %arg5[%get3A_296, %get3A_297] {strides = array<i32>} : memref<128x128xf32, #tpu.memory_space<vmem>>, vector<1x16xf32>,
      %get3A_299 = vector.shape_cast %get3A_298 : vector<1x16xf32> to vector<16xf32>
      %mul3A_300 = arith.constant 4 : i32
      %mul3A_301 = arith.muli %scan3A_132, %mul3A_300 : i32
      %add3A_302 = arith.constant 2 : i32
      %add3A_303 = arith.addi %mul3A_301, %add3A_302 : i32
      %get3A_304 = arith.index_cast %add3A_303 : i32 to index
      %get3A_305 = arith.constant 64 : index
      %get3A_306 = tpu.vector_load %arg5[%get3A_304, %get3A_305] {strides = array<i32>} : memref<128x128xf32, #tpu.memory_space<vmem>>, vector<1x16xf32>,
      %get3A_307 = vector.shape_cast %get3A_306 : vector<1x16xf32> to vector<16xf32>
      %mul3A_308 = arith.constant 4 : i32
      %mul3A_309 = arith.muli %scan3A_132, %mul3A_308 : i32
      %add3A_310 = arith.constant 3 : i32
      %add3A_311 = arith.addi %mul3A_309, %add3A_310 : i32
      %get3A_312 = arith.index_cast %add3A_311 : i32 to index
      %get3A_313 = arith.constant 64 : index
      %get3A_314 = tpu.vector_load %arg5[%get3A_312, %get3A_313] {strides = array<i32>} : memref<128x128xf32, #tpu.memory_space<vmem>>, vector<1x16xf32>,
      %get3A_315 = vector.shape_cast %get3A_314 : vector<1x16xf32> to vector<16xf32>
      %add3A_316 = arith.addf %get3A_291, %get3A_299 : vector<16xf32>
      %add3A_317 = arith.addf %get3A_307, %get3A_315 : vector<16xf32>
      %add3A_318 = arith.addf %add3A_316, %add3A_317 : vector<16xf32>
      %add3A_319 = arith.addf %scan3A_137, %add3A_318 : vector<16xf32>
      %mul3A_320 = arith.constant 4 : i32
      %mul3A_321 = arith.muli %scan3A_132, %mul3A_320 : i32
      %add3A_322 = arith.constant 0 : i32
      %add3A_323 = arith.addi %mul3A_321, %add3A_322 : i32
      %get3A_324 = arith.index_cast %add3A_323 : i32 to index
      %get3A_325 = arith.constant 80 : index
      %get3A_326 = tpu.vector_load %arg5[%get3A_324, %get3A_325] {strides = array<i32>} : memref<128x128xf32, #tpu.memory_space<vmem>>, vector<1x16xf32>,
      %get3A_327 = vector.shape_cast %get3A_326 : vector<1x16xf32> to vector<16xf32>
      %mul3A_328 = arith.constant 4 : i32
      %mul3A_329 = arith.muli %scan3A_132, %mul3A_328 : i32
      %add3A_330 = arith.constant 1 : i32
      %add3A_331 = arith.addi %mul3A_329, %add3A_330 : i32
      %get3A_332 = arith.index_cast %add3A_331 : i32 to index
      %get3A_333 = arith.constant 80 : index
      %get3A_334 = tpu.vector_load %arg5[%get3A_332, %get3A_333] {strides = array<i32>} : memref<128x128xf32, #tpu.memory_space<vmem>>, vector<1x16xf32>,
      %get3A_335 = vector.shape_cast %get3A_334 : vector<1x16xf32> to vector<16xf32>
      %mul3A_336 = arith.constant 4 : i32
      %mul3A_337 = arith.muli %scan3A_132, %mul3A_336 : i32
      %add3A_338 = arith.constant 2 : i32
      %add3A_339 = arith.addi %mul3A_337, %add3A_338 : i32
      %get3A_340 = arith.index_cast %add3A_339 : i32 to index
      %get3A_341 = arith.constant 80 : index
      %get3A_342 = tpu.vector_load %arg5[%get3A_340, %get3A_341] {strides = array<i32>} : memref<128x128xf32, #tpu.memory_space<vmem>>, vector<1x16xf32>,
      %get3A_343 = vector.shape_cast %get3A_342 : vector<1x16xf32> to vector<16xf32>
      %mul3A_344 = arith.constant 4 : i32
      %mul3A_345 = arith.muli %scan3A_132, %mul3A_344 : i32
      %add3A_346 = arith.constant 3 : i32
      %add3A_347 = arith.addi %mul3A_345, %add3A_346 : i32
      %get3A_348 = arith.index_cast %add3A_347 : i32 to index
      %get3A_349 = arith.constant 80 : index
      %get3A_350 = tpu.vector_load %arg5[%get3A_348, %get3A_349] {strides = array<i32>} : memref<128x128xf32, #tpu.memory_space<vmem>>, vector<1x16xf32>,
      %get3A_351 = vector.shape_cast %get3A_350 : vector<1x16xf32> to vector<16xf32>
      %add3A_352 = arith.addf %get3A_327, %get3A_335 : vector<16xf32>
      %add3A_353 = arith.addf %get3A_343, %get3A_351 : vector<16xf32>
      %add3A_354 = arith.addf %add3A_352, %add3A_353 : vector<16xf32>
      %add3A_355 = arith.addf %scan3A_138, %add3A_354 : vector<16xf32>
      %mul3A_356 = arith.constant 4 : i32
      %mul3A_357 = arith.muli %scan3A_132, %mul3A_356 : i32
      %add3A_358 = arith.constant 0 : i32
      %add3A_359 = arith.addi %mul3A_357, %add3A_358 : i32
      %get3A_360 = arith.index_cast %add3A_359 : i32 to index
      %get3A_361 = arith.constant 96 : index
      %get3A_362 = tpu.vector_load %arg5[%get3A_360, %get3A_361] {strides = array<i32>} : memref<128x128xf32, #tpu.memory_space<vmem>>, vector<1x16xf32>,
      %get3A_363 = vector.shape_cast %get3A_362 : vector<1x16xf32> to vector<16xf32>
      %mul3A_364 = arith.constant 4 : i32
      %mul3A_365 = arith.muli %scan3A_132, %mul3A_364 : i32
      %add3A_366 = arith.constant 1 : i32
      %add3A_367 = arith.addi %mul3A_365, %add3A_366 : i32
      %get3A_368 = arith.index_cast %add3A_367 : i32 to index
      %get3A_369 = arith.constant 96 : index
      %get3A_370 = tpu.vector_load %arg5[%get3A_368, %get3A_369] {strides = array<i32>} : memref<128x128xf32, #tpu.memory_space<vmem>>, vector<1x16xf32>,
      %get3A_371 = vector.shape_cast %get3A_370 : vector<1x16xf32> to vector<16xf32>
      %mul3A_372 = arith.constant 4 : i32
      %mul3A_373 = arith.muli %scan3A_132, %mul3A_372 : i32
      %add3A_374 = arith.constant 2 : i32
      %add3A_375 = arith.addi %mul3A_373, %add3A_374 : i32
      %get3A_376 = arith.index_cast %add3A_375 : i32 to index
      %get3A_377 = arith.constant 96 : index
      %get3A_378 = tpu.vector_load %arg5[%get3A_376, %get3A_377] {strides = array<i32>} : memref<128x128xf32, #tpu.memory_space<vmem>>, vector<1x16xf32>,
      %get3A_379 = vector.shape_cast %get3A_378 : vector<1x16xf32> to vector<16xf32>
      %mul3A_380 = arith.constant 4 : i32
      %mul3A_381 = arith.muli %scan3A_132, %mul3A_380 : i32
      %add3A_382 = arith.constant 3 : i32
      %add3A_383 = arith.addi %mul3A_381, %add3A_382 : i32
      %get3A_384 = arith.index_cast %add3A_383 : i32 to index
      %get3A_385 = arith.constant 96 : index
      %get3A_386 = tpu.vector_load %arg5[%get3A_384, %get3A_385] {strides = array<i32>} : memref<128x128xf32, #tpu.memory_space<vmem>>, vector<1x16xf32>,
      %get3A_387 = vector.shape_cast %get3A_386 : vector<1x16xf32> to vector<16xf32>
      %add3A_388 = arith.addf %get3A_363, %get3A_371 : vector<16xf32>
      %add3A_389 = arith.addf %get3A_379, %get3A_387 : vector<16xf32>
      %add3A_390 = arith.addf %add3A_388, %add3A_389 : vector<16xf32>
      %add3A_391 = arith.addf %scan3A_139, %add3A_390 : vector<16xf32>
      %mul3A_392 = arith.constant 4 : i32
      %mul3A_393 = arith.muli %scan3A_132, %mul3A_392 : i32
      %add3A_394 = arith.constant 0 : i32
      %add3A_395 = arith.addi %mul3A_393, %add3A_394 : i32
      %get3A_396 = arith.index_cast %add3A_395 : i32 to index
      %get3A_397 = arith.constant 112 : index
      %get3A_398 = tpu.vector_load %arg5[%get3A_396, %get3A_397] {strides = array<i32>} : memref<128x128xf32, #tpu.memory_space<vmem>>, vector<1x16xf32>,
      %get3A_399 = vector.shape_cast %get3A_398 : vector<1x16xf32> to vector<16xf32>
      %mul3A_400 = arith.constant 4 : i32
      %mul3A_401 = arith.muli %scan3A_132, %mul3A_400 : i32
      %add3A_402 = arith.constant 1 : i32
      %add3A_403 = arith.addi %mul3A_401, %add3A_402 : i32
      %get3A_404 = arith.index_cast %add3A_403 : i32 to index
      %get3A_405 = arith.constant 112 : index
      %get3A_406 = tpu.vector_load %arg5[%get3A_404, %get3A_405] {strides = array<i32>} : memref<128x128xf32, #tpu.memory_space<vmem>>, vector<1x16xf32>,
      %get3A_407 = vector.shape_cast %get3A_406 : vector<1x16xf32> to vector<16xf32>
      %mul3A_408 = arith.constant 4 : i32
      %mul3A_409 = arith.muli %scan3A_132, %mul3A_408 : i32
      %add3A_410 = arith.constant 2 : i32
      %add3A_411 = arith.addi %mul3A_409, %add3A_410 : i32
      %get3A_412 = arith.index_cast %add3A_411 : i32 to index
      %get3A_413 = arith.constant 112 : index
      %get3A_414 = tpu.vector_load %arg5[%get3A_412, %get3A_413] {strides = array<i32>} : memref<128x128xf32, #tpu.memory_space<vmem>>, vector<1x16xf32>,
      %get3A_415 = vector.shape_cast %get3A_414 : vector<1x16xf32> to vector<16xf32>
      %mul3A_416 = arith.constant 4 : i32
      %mul3A_417 = arith.muli %scan3A_132, %mul3A_416 : i32
      %add3A_418 = arith.constant 3 : i32
      %add3A_419 = arith.addi %mul3A_417, %add3A_418 : i32
      %get3A_420 = arith.index_cast %add3A_419 : i32 to index
      %get3A_421 = arith.constant 112 : index
      %get3A_422 = tpu.vector_load %arg5[%get3A_420, %get3A_421] {strides = array<i32>} : memref<128x128xf32, #tpu.memory_space<vmem>>, vector<1x16xf32>,
      %get3A_423 = vector.shape_cast %get3A_422 : vector<1x16xf32> to vector<16xf32>
      %add3A_424 = arith.addf %get3A_399, %get3A_407 : vector<16xf32>
      %add3A_425 = arith.addf %get3A_415, %get3A_423 : vector<16xf32>
      %add3A_426 = arith.addf %add3A_424, %add3A_425 : vector<16xf32>
      %add3A_427 = arith.addf %scan3A_140, %add3A_426 : vector<16xf32>
      scf.yield %add3A_175, %add3A_211, %add3A_247, %add3A_283, %add3A_319, %add3A_355, %add3A_391, %add3A_427 : vector<16xf32>, vector<16xf32>, vector<16xf32>, vector<16xf32>, vector<16xf32>, vector<16xf32>, vector<16xf32>, vector<16xf32>
    }
    %scan3A_71 = arith.constant 32 : i32
    %add3A_72 = arith.constant 384 : i32
    %add3A_73 = arith.addi %add3A_35, %add3A_72 : i32
    %dma_start3A_74 = arith.constant 0 : i32
    %dma_start3A_75 = tpu.memref_slice %arg2[%add3A_73, %dma_start3A_74] : memref<32768x128xf32, #tpu.memory_space<hbm>> -> memref<128x128xf32, #tpu.memory_space<hbm>>
    %dma_start3A_76 = arith.constant 0 : i32
    %dma_start3A_77 = tpu.memref_slice %arg2[%add3A_73, %dma_start3A_76] : memref<32768x128xf32, #tpu.memory_space<hbm>> -> memref<128x128xf32, #tpu.memory_space<hbm>>
    tpu.enqueue_dma source(%dma_start3A_77 : memref<128x128xf32, #tpu.memory_space<hbm>>) target(%arg5 : memref<128x128xf32, #tpu.memory_space<vmem>>) target_semaphore(%arg10 : memref<!tpu.dma_semaphore, #tpu.memory_space<semaphore_mem>>)
    %dma_wait3A_78 = arith.constant 0 : i32
    %dma_wait3A_79 = tpu.memref_slice %arg2[%add3A_57, %dma_wait3A_78] : memref<32768x128xf32, #tpu.memory_space<hbm>> -> memref<128x128xf32, #tpu.memory_space<hbm>>
    %dma_wait3A_80 = arith.constant 0 : i32
    %dma_wait3A_81 = tpu.memref_slice %arg2[%add3A_57, %dma_wait3A_80] : memref<32768x128xf32, #tpu.memory_space<hbm>> -> memref<128x128xf32, #tpu.memory_space<hbm>>
    tpu.wait_dma2 semaphore(%arg9 : memref<!tpu.dma_semaphore, #tpu.memory_space<semaphore_mem>>) src(%dma_wait3A_81 : memref<128x128xf32, #tpu.memory_space<hbm>>) dst(%arg4 : memref<128x128xf32, #tpu.memory_space<vmem>>)
    %scan3A_82 = arith.constant 0 : i32
    %scan3A_83 = arith.constant 32 : i32
    %scan3A_84 = arith.addi %scan3A_82, %scan3A_83 : i32
    %scan3A_85 = arith.constant 1 : i32
    %scan3A_86:8 = scf.for %scan3A_132 = %scan3A_82 to %scan3A_84 step %scan3A_85 iter_args(%scan3A_133 = %scan3A_70#0, %scan3A_134 = %scan3A_70#1, %scan3A_135 = %scan3A_70#2, %scan3A_136 = %scan3A_70#3, %scan3A_137 = %scan3A_70#4, %scan3A_138 = %scan3A_70#5, %scan3A_139 = %scan3A_70#6, %scan3A_140 = %scan3A_70#7) -> (vector<16xf32>, vector<16xf32>, vector<16xf32>, vector<16xf32>, vector<16xf32>, vector<16xf32>, vector<16xf32>, vector<16xf32>)  : i32 {
      %mul3A_141 = arith.constant 4 : i32
      %mul3A_142 = arith.muli %scan3A_132, %mul3A_141 : i32
      %add3A_143 = arith.constant 0 : i32
      %add3A_144 = arith.addi %mul3A_142, %add3A_143 : i32
      %get3A = arith.index_cast %add3A_144 : i32 to index
      %get3A_145 = arith.constant 0 : index
      %get3A_146 = tpu.vector_load %arg4[%get3A, %get3A_145] {strides = array<i32>} : memref<128x128xf32, #tpu.memory_space<vmem>>, vector<1x16xf32>,
      %get3A_147 = vector.shape_cast %get3A_146 : vector<1x16xf32> to vector<16xf32>
      %mul3A_148 = arith.constant 4 : i32
      %mul3A_149 = arith.muli %scan3A_132, %mul3A_148 : i32
      %add3A_150 = arith.constant 1 : i32
      %add3A_151 = arith.addi %mul3A_149, %add3A_150 : i32
      %get3A_152 = arith.index_cast %add3A_151 : i32 to index
      %get3A_153 = arith.constant 0 : index
      %get3A_154 = tpu.vector_load %arg4[%get3A_152, %get3A_153] {strides = array<i32>} : memref<128x128xf32, #tpu.memory_space<vmem>>, vector<1x16xf32>,
      %get3A_155 = vector.shape_cast %get3A_154 : vector<1x16xf32> to vector<16xf32>
      %mul3A_156 = arith.constant 4 : i32
      %mul3A_157 = arith.muli %scan3A_132, %mul3A_156 : i32
      %add3A_158 = arith.constant 2 : i32
      %add3A_159 = arith.addi %mul3A_157, %add3A_158 : i32
      %get3A_160 = arith.index_cast %add3A_159 : i32 to index
      %get3A_161 = arith.constant 0 : index
      %get3A_162 = tpu.vector_load %arg4[%get3A_160, %get3A_161] {strides = array<i32>} : memref<128x128xf32, #tpu.memory_space<vmem>>, vector<1x16xf32>,
      %get3A_163 = vector.shape_cast %get3A_162 : vector<1x16xf32> to vector<16xf32>
      %mul3A_164 = arith.constant 4 : i32
      %mul3A_165 = arith.muli %scan3A_132, %mul3A_164 : i32
      %add3A_166 = arith.constant 3 : i32
      %add3A_167 = arith.addi %mul3A_165, %add3A_166 : i32
      %get3A_168 = arith.index_cast %add3A_167 : i32 to index
      %get3A_169 = arith.constant 0 : index
      %get3A_170 = tpu.vector_load %arg4[%get3A_168, %get3A_169] {strides = array<i32>} : memref<128x128xf32, #tpu.memory_space<vmem>>, vector<1x16xf32>,
      %get3A_171 = vector.shape_cast %get3A_170 : vector<1x16xf32> to vector<16xf32>
      %add3A_172 = arith.addf %get3A_147, %get3A_155 : vector<16xf32>
      %add3A_173 = arith.addf %get3A_163, %get3A_171 : vector<16xf32>
      %add3A_174 = arith.addf %add3A_172, %add3A_173 : vector<16xf32>
      %add3A_175 = arith.addf %scan3A_133, %add3A_174 : vector<16xf32>
      %mul3A_176 = arith.constant 4 : i32
      %mul3A_177 = arith.muli %scan3A_132, %mul3A_176 : i32
      %add3A_178 = arith.constant 0 : i32
      %add3A_179 = arith.addi %mul3A_177, %add3A_178 : i32
      %get3A_180 = arith.index_cast %add3A_179 : i32 to index
      %get3A_181 = arith.constant 16 : index
      %get3A_182 = tpu.vector_load %arg4[%get3A_180, %get3A_181] {strides = array<i32>} : memref<128x128xf32, #tpu.memory_space<vmem>>, vector<1x16xf32>,
      %get3A_183 = vector.shape_cast %get3A_182 : vector<1x16xf32> to vector<16xf32>
      %mul3A_184 = arith.constant 4 : i32
      %mul3A_185 = arith.muli %scan3A_132, %mul3A_184 : i32
      %add3A_186 = arith.constant 1 : i32
      %add3A_187 = arith.addi %mul3A_185, %add3A_186 : i32
      %get3A_188 = arith.index_cast %add3A_187 : i32 to index
      %get3A_189 = arith.constant 16 : index
      %get3A_190 = tpu.vector_load %arg4[%get3A_188, %get3A_189] {strides = array<i32>} : memref<128x128xf32, #tpu.memory_space<vmem>>, vector<1x16xf32>,
      %get3A_191 = vector.shape_cast %get3A_190 : vector<1x16xf32> to vector<16xf32>
      %mul3A_192 = arith.constant 4 : i32
      %mul3A_193 = arith.muli %scan3A_132, %mul3A_192 : i32
      %add3A_194 = arith.constant 2 : i32
      %add3A_195 = arith.addi %mul3A_193, %add3A_194 : i32
      %get3A_196 = arith.index_cast %add3A_195 : i32 to index
      %get3A_197 = arith.constant 16 : index
      %get3A_198 = tpu.vector_load %arg4[%get3A_196, %get3A_197] {strides = array<i32>} : memref<128x128xf32, #tpu.memory_space<vmem>>, vector<1x16xf32>,
      %get3A_199 = vector.shape_cast %get3A_198 : vector<1x16xf32> to vector<16xf32>
      %mul3A_200 = arith.constant 4 : i32
      %mul3A_201 = arith.muli %scan3A_132, %mul3A_200 : i32
      %add3A_202 = arith.constant 3 : i32
      %add3A_203 = arith.addi %mul3A_201, %add3A_202 : i32
      %get3A_204 = arith.index_cast %add3A_203 : i32 to index
      %get3A_205 = arith.constant 16 : index
      %get3A_206 = tpu.vector_load %arg4[%get3A_204, %get3A_205] {strides = array<i32>} : memref<128x128xf32, #tpu.memory_space<vmem>>, vector<1x16xf32>,
      %get3A_207 = vector.shape_cast %get3A_206 : vector<1x16xf32> to vector<16xf32>
      %add3A_208 = arith.addf %get3A_183, %get3A_191 : vector<16xf32>
      %add3A_209 = arith.addf %get3A_199, %get3A_207 : vector<16xf32>
      %add3A_210 = arith.addf %add3A_208, %add3A_209 : vector<16xf32>
      %add3A_211 = arith.addf %scan3A_134, %add3A_210 : vector<16xf32>
      %mul3A_212 = arith.constant 4 : i32
      %mul3A_213 = arith.muli %scan3A_132, %mul3A_212 : i32
      %add3A_214 = arith.constant 0 : i32
      %add3A_215 = arith.addi %mul3A_213, %add3A_214 : i32
      %get3A_216 = arith.index_cast %add3A_215 : i32 to index
      %get3A_217 = arith.constant 32 : index
      %get3A_218 = tpu.vector_load %arg4[%get3A_216, %get3A_217] {strides = array<i32>} : memref<128x128xf32, #tpu.memory_space<vmem>>, vector<1x16xf32>,
      %get3A_219 = vector.shape_cast %get3A_218 : vector<1x16xf32> to vector<16xf32>
      %mul3A_220 = arith.constant 4 : i32
      %mul3A_221 = arith.muli %scan3A_132, %mul3A_220 : i32
      %add3A_222 = arith.constant 1 : i32
      %add3A_223 = arith.addi %mul3A_221, %add3A_222 : i32
      %get3A_224 = arith.index_cast %add3A_223 : i32 to index
      %get3A_225 = arith.constant 32 : index
      %get3A_226 = tpu.vector_load %arg4[%get3A_224, %get3A_225] {strides = array<i32>} : memref<128x128xf32, #tpu.memory_space<vmem>>, vector<1x16xf32>,
      %get3A_227 = vector.shape_cast %get3A_226 : vector<1x16xf32> to vector<16xf32>
      %mul3A_228 = arith.constant 4 : i32
      %mul3A_229 = arith.muli %scan3A_132, %mul3A_228 : i32
      %add3A_230 = arith.constant 2 : i32
      %add3A_231 = arith.addi %mul3A_229, %add3A_230 : i32
      %get3A_232 = arith.index_cast %add3A_231 : i32 to index
      %get3A_233 = arith.constant 32 : index
      %get3A_234 = tpu.vector_load %arg4[%get3A_232, %get3A_233] {strides = array<i32>} : memref<128x128xf32, #tpu.memory_space<vmem>>, vector<1x16xf32>,
      %get3A_235 = vector.shape_cast %get3A_234 : vector<1x16xf32> to vector<16xf32>
      %mul3A_236 = arith.constant 4 : i32
      %mul3A_237 = arith.muli %scan3A_132, %mul3A_236 : i32
      %add3A_238 = arith.constant 3 : i32
      %add3A_239 = arith.addi %mul3A_237, %add3A_238 : i32
      %get3A_240 = arith.index_cast %add3A_239 : i32 to index
      %get3A_241 = arith.constant 32 : index
      %get3A_242 = tpu.vector_load %arg4[%get3A_240, %get3A_241] {strides = array<i32>} : memref<128x128xf32, #tpu.memory_space<vmem>>, vector<1x16xf32>,
      %get3A_243 = vector.shape_cast %get3A_242 : vector<1x16xf32> to vector<16xf32>
      %add3A_244 = arith.addf %get3A_219, %get3A_227 : vector<16xf32>
      %add3A_245 = arith.addf %get3A_235, %get3A_243 : vector<16xf32>
      %add3A_246 = arith.addf %add3A_244, %add3A_245 : vector<16xf32>
      %add3A_247 = arith.addf %scan3A_135, %add3A_246 : vector<16xf32>
      %mul3A_248 = arith.constant 4 : i32
      %mul3A_249 = arith.muli %scan3A_132, %mul3A_248 : i32
      %add3A_250 = arith.constant 0 : i32
      %add3A_251 = arith.addi %mul3A_249, %add3A_250 : i32
      %get3A_252 = arith.index_cast %add3A_251 : i32 to index
      %get3A_253 = arith.constant 48 : index
      %get3A_254 = tpu.vector_load %arg4[%get3A_252, %get3A_253] {strides = array<i32>} : memref<128x128xf32, #tpu.memory_space<vmem>>, vector<1x16xf32>,
      %get3A_255 = vector.shape_cast %get3A_254 : vector<1x16xf32> to vector<16xf32>
      %mul3A_256 = arith.constant 4 : i32
      %mul3A_257 = arith.muli %scan3A_132, %mul3A_256 : i32
      %add3A_258 = arith.constant 1 : i32
      %add3A_259 = arith.addi %mul3A_257, %add3A_258 : i32
      %get3A_260 = arith.index_cast %add3A_259 : i32 to index
      %get3A_261 = arith.constant 48 : index
      %get3A_262 = tpu.vector_load %arg4[%get3A_260, %get3A_261] {strides = array<i32>} : memref<128x128xf32, #tpu.memory_space<vmem>>, vector<1x16xf32>,
      %get3A_263 = vector.shape_cast %get3A_262 : vector<1x16xf32> to vector<16xf32>
      %mul3A_264 = arith.constant 4 : i32
      %mul3A_265 = arith.muli %scan3A_132, %mul3A_264 : i32
      %add3A_266 = arith.constant 2 : i32
      %add3A_267 = arith.addi %mul3A_265, %add3A_266 : i32
      %get3A_268 = arith.index_cast %add3A_267 : i32 to index
      %get3A_269 = arith.constant 48 : index
      %get3A_270 = tpu.vector_load %arg4[%get3A_268, %get3A_269] {strides = array<i32>} : memref<128x128xf32, #tpu.memory_space<vmem>>, vector<1x16xf32>,
      %get3A_271 = vector.shape_cast %get3A_270 : vector<1x16xf32> to vector<16xf32>
      %mul3A_272 = arith.constant 4 : i32
      %mul3A_273 = arith.muli %scan3A_132, %mul3A_272 : i32
      %add3A_274 = arith.constant 3 : i32
      %add3A_275 = arith.addi %mul3A_273, %add3A_274 : i32
      %get3A_276 = arith.index_cast %add3A_275 : i32 to index
      %get3A_277 = arith.constant 48 : index
      %get3A_278 = tpu.vector_load %arg4[%get3A_276, %get3A_277] {strides = array<i32>} : memref<128x128xf32, #tpu.memory_space<vmem>>, vector<1x16xf32>,
      %get3A_279 = vector.shape_cast %get3A_278 : vector<1x16xf32> to vector<16xf32>
      %add3A_280 = arith.addf %get3A_255, %get3A_263 : vector<16xf32>
      %add3A_281 = arith.addf %get3A_271, %get3A_279 : vector<16xf32>
      %add3A_282 = arith.addf %add3A_280, %add3A_281 : vector<16xf32>
      %add3A_283 = arith.addf %scan3A_136, %add3A_282 : vector<16xf32>
      %mul3A_284 = arith.constant 4 : i32
      %mul3A_285 = arith.muli %scan3A_132, %mul3A_284 : i32
      %add3A_286 = arith.constant 0 : i32
      %add3A_287 = arith.addi %mul3A_285, %add3A_286 : i32
      %get3A_288 = arith.index_cast %add3A_287 : i32 to index
      %get3A_289 = arith.constant 64 : index
      %get3A_290 = tpu.vector_load %arg4[%get3A_288, %get3A_289] {strides = array<i32>} : memref<128x128xf32, #tpu.memory_space<vmem>>, vector<1x16xf32>,
      %get3A_291 = vector.shape_cast %get3A_290 : vector<1x16xf32> to vector<16xf32>
      %mul3A_292 = arith.constant 4 : i32
      %mul3A_293 = arith.muli %scan3A_132, %mul3A_292 : i32
      %add3A_294 = arith.constant 1 : i32
      %add3A_295 = arith.addi %mul3A_293, %add3A_294 : i32
      %get3A_296 = arith.index_cast %add3A_295 : i32 to index
      %get3A_297 = arith.constant 64 : index
      %get3A_298 = tpu.vector_load %arg4[%get3A_296, %get3A_297] {strides = array<i32>} : memref<128x128xf32, #tpu.memory_space<vmem>>, vector<1x16xf32>,
      %get3A_299 = vector.shape_cast %get3A_298 : vector<1x16xf32> to vector<16xf32>
      %mul3A_300 = arith.constant 4 : i32
      %mul3A_301 = arith.muli %scan3A_132, %mul3A_300 : i32
      %add3A_302 = arith.constant 2 : i32
      %add3A_303 = arith.addi %mul3A_301, %add3A_302 : i32
      %get3A_304 = arith.index_cast %add3A_303 : i32 to index
      %get3A_305 = arith.constant 64 : index
      %get3A_306 = tpu.vector_load %arg4[%get3A_304, %get3A_305] {strides = array<i32>} : memref<128x128xf32, #tpu.memory_space<vmem>>, vector<1x16xf32>,
      %get3A_307 = vector.shape_cast %get3A_306 : vector<1x16xf32> to vector<16xf32>
      %mul3A_308 = arith.constant 4 : i32
      %mul3A_309 = arith.muli %scan3A_132, %mul3A_308 : i32
      %add3A_310 = arith.constant 3 : i32
      %add3A_311 = arith.addi %mul3A_309, %add3A_310 : i32
      %get3A_312 = arith.index_cast %add3A_311 : i32 to index
      %get3A_313 = arith.constant 64 : index
      %get3A_314 = tpu.vector_load %arg4[%get3A_312, %get3A_313] {strides = array<i32>} : memref<128x128xf32, #tpu.memory_space<vmem>>, vector<1x16xf32>,
      %get3A_315 = vector.shape_cast %get3A_314 : vector<1x16xf32> to vector<16xf32>
      %add3A_316 = arith.addf %get3A_291, %get3A_299 : vector<16xf32>
      %add3A_317 = arith.addf %get3A_307, %get3A_315 : vector<16xf32>
      %add3A_318 = arith.addf %add3A_316, %add3A_317 : vector<16xf32>
      %add3A_319 = arith.addf %scan3A_137, %add3A_318 : vector<16xf32>
      %mul3A_320 = arith.constant 4 : i32
      %mul3A_321 = arith.muli %scan3A_132, %mul3A_320 : i32
      %add3A_322 = arith.constant 0 : i32
      %add3A_323 = arith.addi %mul3A_321, %add3A_322 : i32
      %get3A_324 = arith.index_cast %add3A_323 : i32 to index
      %get3A_325 = arith.constant 80 : index
      %get3A_326 = tpu.vector_load %arg4[%get3A_324, %get3A_325] {strides = array<i32>} : memref<128x128xf32, #tpu.memory_space<vmem>>, vector<1x16xf32>,
      %get3A_327 = vector.shape_cast %get3A_326 : vector<1x16xf32> to vector<16xf32>
      %mul3A_328 = arith.constant 4 : i32
      %mul3A_329 = arith.muli %scan3A_132, %mul3A_328 : i32
      %add3A_330 = arith.constant 1 : i32
      %add3A_331 = arith.addi %mul3A_329, %add3A_330 : i32
      %get3A_332 = arith.index_cast %add3A_331 : i32 to index
      %get3A_333 = arith.constant 80 : index
      %get3A_334 = tpu.vector_load %arg4[%get3A_332, %get3A_333] {strides = array<i32>} : memref<128x128xf32, #tpu.memory_space<vmem>>, vector<1x16xf32>,
      %get3A_335 = vector.shape_cast %get3A_334 : vector<1x16xf32> to vector<16xf32>
      %mul3A_336 = arith.constant 4 : i32
      %mul3A_337 = arith.muli %scan3A_132, %mul3A_336 : i32
      %add3A_338 = arith.constant 2 : i32
      %add3A_339 = arith.addi %mul3A_337, %add3A_338 : i32
      %get3A_340 = arith.index_cast %add3A_339 : i32 to index
      %get3A_341 = arith.constant 80 : index
      %get3A_342 = tpu.vector_load %arg4[%get3A_340, %get3A_341] {strides = array<i32>} : memref<128x128xf32, #tpu.memory_space<vmem>>, vector<1x16xf32>,
      %get3A_343 = vector.shape_cast %get3A_342 : vector<1x16xf32> to vector<16xf32>
      %mul3A_344 = arith.constant 4 : i32
      %mul3A_345 = arith.muli %scan3A_132, %mul3A_344 : i32
      %add3A_346 = arith.constant 3 : i32
      %add3A_347 = arith.addi %mul3A_345, %add3A_346 : i32
      %get3A_348 = arith.index_cast %add3A_347 : i32 to index
      %get3A_349 = arith.constant 80 : index
      %get3A_350 = tpu.vector_load %arg4[%get3A_348, %get3A_349] {strides = array<i32>} : memref<128x128xf32, #tpu.memory_space<vmem>>, vector<1x16xf32>,
      %get3A_351 = vector.shape_cast %get3A_350 : vector<1x16xf32> to vector<16xf32>
      %add3A_352 = arith.addf %get3A_327, %get3A_335 : vector<16xf32>
      %add3A_353 = arith.addf %get3A_343, %get3A_351 : vector<16xf32>
      %add3A_354 = arith.addf %add3A_352, %add3A_353 : vector<16xf32>
      %add3A_355 = arith.addf %scan3A_138, %add3A_354 : vector<16xf32>
      %mul3A_356 = arith.constant 4 : i32
      %mul3A_357 = arith.muli %scan3A_132, %mul3A_356 : i32
      %add3A_358 = arith.constant 0 : i32
      %add3A_359 = arith.addi %mul3A_357, %add3A_358 : i32
      %get3A_360 = arith.index_cast %add3A_359 : i32 to index
      %get3A_361 = arith.constant 96 : index
      %get3A_362 = tpu.vector_load %arg4[%get3A_360, %get3A_361] {strides = array<i32>} : memref<128x128xf32, #tpu.memory_space<vmem>>, vector<1x16xf32>,
      %get3A_363 = vector.shape_cast %get3A_362 : vector<1x16xf32> to vector<16xf32>
      %mul3A_364 = arith.constant 4 : i32
      %mul3A_365 = arith.muli %scan3A_132, %mul3A_364 : i32
      %add3A_366 = arith.constant 1 : i32
      %add3A_367 = arith.addi %mul3A_365, %add3A_366 : i32
      %get3A_368 = arith.index_cast %add3A_367 : i32 to index
      %get3A_369 = arith.constant 96 : index
      %get3A_370 = tpu.vector_load %arg4[%get3A_368, %get3A_369] {strides = array<i32>} : memref<128x128xf32, #tpu.memory_space<vmem>>, vector<1x16xf32>,
      %get3A_371 = vector.shape_cast %get3A_370 : vector<1x16xf32> to vector<16xf32>
      %mul3A_372 = arith.constant 4 : i32
      %mul3A_373 = arith.muli %scan3A_132, %mul3A_372 : i32
      %add3A_374 = arith.constant 2 : i32
      %add3A_375 = arith.addi %mul3A_373, %add3A_374 : i32
      %get3A_376 = arith.index_cast %add3A_375 : i32 to index
      %get3A_377 = arith.constant 96 : index
      %get3A_378 = tpu.vector_load %arg4[%get3A_376, %get3A_377] {strides = array<i32>} : memref<128x128xf32, #tpu.memory_space<vmem>>, vector<1x16xf32>,
      %get3A_379 = vector.shape_cast %get3A_378 : vector<1x16xf32> to vector<16xf32>
      %mul3A_380 = arith.constant 4 : i32
      %mul3A_381 = arith.muli %scan3A_132, %mul3A_380 : i32
      %add3A_382 = arith.constant 3 : i32
      %add3A_383 = arith.addi %mul3A_381, %add3A_382 : i32
      %get3A_384 = arith.index_cast %add3A_383 : i32 to index
      %get3A_385 = arith.constant 96 : index
      %get3A_386 = tpu.vector_load %arg4[%get3A_384, %get3A_385] {strides = array<i32>} : memref<128x128xf32, #tpu.memory_space<vmem>>, vector<1x16xf32>,
      %get3A_387 = vector.shape_cast %get3A_386 : vector<1x16xf32> to vector<16xf32>
      %add3A_388 = arith.addf %get3A_363, %get3A_371 : vector<16xf32>
      %add3A_389 = arith.addf %get3A_379, %get3A_387 : vector<16xf32>
      %add3A_390 = arith.addf %add3A_388, %add3A_389 : vector<16xf32>
      %add3A_391 = arith.addf %scan3A_139, %add3A_390 : vector<16xf32>
      %mul3A_392 = arith.constant 4 : i32
      %mul3A_393 = arith.muli %scan3A_132, %mul3A_392 : i32
      %add3A_394 = arith.constant 0 : i32
      %add3A_395 = arith.addi %mul3A_393, %add3A_394 : i32
      %get3A_396 = arith.index_cast %add3A_395 : i32 to index
      %get3A_397 = arith.constant 112 : index
      %get3A_398 = tpu.vector_load %arg4[%get3A_396, %get3A_397] {strides = array<i32>} : memref<128x128xf32, #tpu.memory_space<vmem>>, vector<1x16xf32>,
      %get3A_399 = vector.shape_cast %get3A_398 : vector<1x16xf32> to vector<16xf32>
      %mul3A_400 = arith.constant 4 : i32
      %mul3A_401 = arith.muli %scan3A_132, %mul3A_400 : i32
      %add3A_402 = arith.constant 1 : i32
      %add3A_403 = arith.addi %mul3A_401, %add3A_402 : i32
      %get3A_404 = arith.index_cast %add3A_403 : i32 to index
      %get3A_405 = arith.constant 112 : index
      %get3A_406 = tpu.vector_load %arg4[%get3A_404, %get3A_405] {strides = array<i32>} : memref<128x128xf32, #tpu.memory_space<vmem>>, vector<1x16xf32>,
      %get3A_407 = vector.shape_cast %get3A_406 : vector<1x16xf32> to vector<16xf32>
      %mul3A_408 = arith.constant 4 : i32
      %mul3A_409 = arith.muli %scan3A_132, %mul3A_408 : i32
      %add3A_410 = arith.constant 2 : i32
      %add3A_411 = arith.addi %mul3A_409, %add3A_410 : i32
      %get3A_412 = arith.index_cast %add3A_411 : i32 to index
      %get3A_413 = arith.constant 112 : index
      %get3A_414 = tpu.vector_load %arg4[%get3A_412, %get3A_413] {strides = array<i32>} : memref<128x128xf32, #tpu.memory_space<vmem>>, vector<1x16xf32>,
      %get3A_415 = vector.shape_cast %get3A_414 : vector<1x16xf32> to vector<16xf32>
      %mul3A_416 = arith.constant 4 : i32
      %mul3A_417 = arith.muli %scan3A_132, %mul3A_416 : i32
      %add3A_418 = arith.constant 3 : i32
      %add3A_419 = arith.addi %mul3A_417, %add3A_418 : i32
      %get3A_420 = arith.index_cast %add3A_419 : i32 to index
      %get3A_421 = arith.constant 112 : index
      %get3A_422 = tpu.vector_load %arg4[%get3A_420, %get3A_421] {strides = array<i32>} : memref<128x128xf32, #tpu.memory_space<vmem>>, vector<1x16xf32>,
      %get3A_423 = vector.shape_cast %get3A_422 : vector<1x16xf32> to vector<16xf32>
      %add3A_424 = arith.addf %get3A_399, %get3A_407 : vector<16xf32>
      %add3A_425 = arith.addf %get3A_415, %get3A_423 : vector<16xf32>
      %add3A_426 = arith.addf %add3A_424, %add3A_425 : vector<16xf32>
      %add3A_427 = arith.addf %scan3A_140, %add3A_426 : vector<16xf32>
      scf.yield %add3A_175, %add3A_211, %add3A_247, %add3A_283, %add3A_319, %add3A_355, %add3A_391, %add3A_427 : vector<16xf32>, vector<16xf32>, vector<16xf32>, vector<16xf32>, vector<16xf32>, vector<16xf32>, vector<16xf32>, vector<16xf32>
    }
    %scan3A_87 = arith.constant 32 : i32
    %dma_wait3A_88 = arith.constant 0 : i32
    %dma_wait3A_89 = tpu.memref_slice %arg2[%add3A_73, %dma_wait3A_88] : memref<32768x128xf32, #tpu.memory_space<hbm>> -> memref<128x128xf32, #tpu.memory_space<hbm>>
    %dma_wait3A_90 = arith.constant 0 : i32
    %dma_wait3A_91 = tpu.memref_slice %arg2[%add3A_73, %dma_wait3A_90] : memref<32768x128xf32, #tpu.memory_space<hbm>> -> memref<128x128xf32, #tpu.memory_space<hbm>>
    tpu.wait_dma2 semaphore(%arg10 : memref<!tpu.dma_semaphore, #tpu.memory_space<semaphore_mem>>) src(%dma_wait3A_91 : memref<128x128xf32, #tpu.memory_space<hbm>>) dst(%arg5 : memref<128x128xf32, #tpu.memory_space<vmem>>)
    %scan3A_92 = arith.constant 0 : i32
    %scan3A_93 = arith.constant 32 : i32
    %scan3A_94 = arith.addi %scan3A_92, %scan3A_93 : i32
    %scan3A_95 = arith.constant 1 : i32
    %scan3A_96:8 = scf.for %scan3A_132 = %scan3A_92 to %scan3A_94 step %scan3A_95 iter_args(%scan3A_133 = %scan3A_86#0, %scan3A_134 = %scan3A_86#1, %scan3A_135 = %scan3A_86#2, %scan3A_136 = %scan3A_86#3, %scan3A_137 = %scan3A_86#4, %scan3A_138 = %scan3A_86#5, %scan3A_139 = %scan3A_86#6, %scan3A_140 = %scan3A_86#7) -> (vector<16xf32>, vector<16xf32>, vector<16xf32>, vector<16xf32>, vector<16xf32>, vector<16xf32>, vector<16xf32>, vector<16xf32>)  : i32 {
      %mul3A_141 = arith.constant 4 : i32
      %mul3A_142 = arith.muli %scan3A_132, %mul3A_141 : i32
      %add3A_143 = arith.constant 0 : i32
      %add3A_144 = arith.addi %mul3A_142, %add3A_143 : i32
      %get3A = arith.index_cast %add3A_144 : i32 to index
      %get3A_145 = arith.constant 0 : index
      %get3A_146 = tpu.vector_load %arg5[%get3A, %get3A_145] {strides = array<i32>} : memref<128x128xf32, #tpu.memory_space<vmem>>, vector<1x16xf32>,
      %get3A_147 = vector.shape_cast %get3A_146 : vector<1x16xf32> to vector<16xf32>
      %mul3A_148 = arith.constant 4 : i32
      %mul3A_149 = arith.muli %scan3A_132, %mul3A_148 : i32
      %add3A_150 = arith.constant 1 : i32
      %add3A_151 = arith.addi %mul3A_149, %add3A_150 : i32
      %get3A_152 = arith.index_cast %add3A_151 : i32 to index
      %get3A_153 = arith.constant 0 : index
      %get3A_154 = tpu.vector_load %arg5[%get3A_152, %get3A_153] {strides = array<i32>} : memref<128x128xf32, #tpu.memory_space<vmem>>, vector<1x16xf32>,
      %get3A_155 = vector.shape_cast %get3A_154 : vector<1x16xf32> to vector<16xf32>
      %mul3A_156 = arith.constant 4 : i32
      %mul3A_157 = arith.muli %scan3A_132, %mul3A_156 : i32
      %add3A_158 = arith.constant 2 : i32
      %add3A_159 = arith.addi %mul3A_157, %add3A_158 : i32
      %get3A_160 = arith.index_cast %add3A_159 : i32 to index
      %get3A_161 = arith.constant 0 : index
      %get3A_162 = tpu.vector_load %arg5[%get3A_160, %get3A_161] {strides = array<i32>} : memref<128x128xf32, #tpu.memory_space<vmem>>, vector<1x16xf32>,
      %get3A_163 = vector.shape_cast %get3A_162 : vector<1x16xf32> to vector<16xf32>
      %mul3A_164 = arith.constant 4 : i32
      %mul3A_165 = arith.muli %scan3A_132, %mul3A_164 : i32
      %add3A_166 = arith.constant 3 : i32
      %add3A_167 = arith.addi %mul3A_165, %add3A_166 : i32
      %get3A_168 = arith.index_cast %add3A_167 : i32 to index
      %get3A_169 = arith.constant 0 : index
      %get3A_170 = tpu.vector_load %arg5[%get3A_168, %get3A_169] {strides = array<i32>} : memref<128x128xf32, #tpu.memory_space<vmem>>, vector<1x16xf32>,
      %get3A_171 = vector.shape_cast %get3A_170 : vector<1x16xf32> to vector<16xf32>
      %add3A_172 = arith.addf %get3A_147, %get3A_155 : vector<16xf32>
      %add3A_173 = arith.addf %get3A_163, %get3A_171 : vector<16xf32>
      %add3A_174 = arith.addf %add3A_172, %add3A_173 : vector<16xf32>
      %add3A_175 = arith.addf %scan3A_133, %add3A_174 : vector<16xf32>
      %mul3A_176 = arith.constant 4 : i32
      %mul3A_177 = arith.muli %scan3A_132, %mul3A_176 : i32
      %add3A_178 = arith.constant 0 : i32
      %add3A_179 = arith.addi %mul3A_177, %add3A_178 : i32
      %get3A_180 = arith.index_cast %add3A_179 : i32 to index
      %get3A_181 = arith.constant 16 : index
      %get3A_182 = tpu.vector_load %arg5[%get3A_180, %get3A_181] {strides = array<i32>} : memref<128x128xf32, #tpu.memory_space<vmem>>, vector<1x16xf32>,
      %get3A_183 = vector.shape_cast %get3A_182 : vector<1x16xf32> to vector<16xf32>
      %mul3A_184 = arith.constant 4 : i32
      %mul3A_185 = arith.muli %scan3A_132, %mul3A_184 : i32
      %add3A_186 = arith.constant 1 : i32
      %add3A_187 = arith.addi %mul3A_185, %add3A_186 : i32
      %get3A_188 = arith.index_cast %add3A_187 : i32 to index
      %get3A_189 = arith.constant 16 : index
      %get3A_190 = tpu.vector_load %arg5[%get3A_188, %get3A_189] {strides = array<i32>} : memref<128x128xf32, #tpu.memory_space<vmem>>, vector<1x16xf32>,
      %get3A_191 = vector.shape_cast %get3A_190 : vector<1x16xf32> to vector<16xf32>
      %mul3A_192 = arith.constant 4 : i32
      %mul3A_193 = arith.muli %scan3A_132, %mul3A_192 : i32
      %add3A_194 = arith.constant 2 : i32
      %add3A_195 = arith.addi %mul3A_193, %add3A_194 : i32
      %get3A_196 = arith.index_cast %add3A_195 : i32 to index
      %get3A_197 = arith.constant 16 : index
      %get3A_198 = tpu.vector_load %arg5[%get3A_196, %get3A_197] {strides = array<i32>} : memref<128x128xf32, #tpu.memory_space<vmem>>, vector<1x16xf32>,
      %get3A_199 = vector.shape_cast %get3A_198 : vector<1x16xf32> to vector<16xf32>
      %mul3A_200 = arith.constant 4 : i32
      %mul3A_201 = arith.muli %scan3A_132, %mul3A_200 : i32
      %add3A_202 = arith.constant 3 : i32
      %add3A_203 = arith.addi %mul3A_201, %add3A_202 : i32
      %get3A_204 = arith.index_cast %add3A_203 : i32 to index
      %get3A_205 = arith.constant 16 : index
      %get3A_206 = tpu.vector_load %arg5[%get3A_204, %get3A_205] {strides = array<i32>} : memref<128x128xf32, #tpu.memory_space<vmem>>, vector<1x16xf32>,
      %get3A_207 = vector.shape_cast %get3A_206 : vector<1x16xf32> to vector<16xf32>
      %add3A_208 = arith.addf %get3A_183, %get3A_191 : vector<16xf32>
      %add3A_209 = arith.addf %get3A_199, %get3A_207 : vector<16xf32>
      %add3A_210 = arith.addf %add3A_208, %add3A_209 : vector<16xf32>
      %add3A_211 = arith.addf %scan3A_134, %add3A_210 : vector<16xf32>
      %mul3A_212 = arith.constant 4 : i32
      %mul3A_213 = arith.muli %scan3A_132, %mul3A_212 : i32
      %add3A_214 = arith.constant 0 : i32
      %add3A_215 = arith.addi %mul3A_213, %add3A_214 : i32
      %get3A_216 = arith.index_cast %add3A_215 : i32 to index
      %get3A_217 = arith.constant 32 : index
      %get3A_218 = tpu.vector_load %arg5[%get3A_216, %get3A_217] {strides = array<i32>} : memref<128x128xf32, #tpu.memory_space<vmem>>, vector<1x16xf32>,
      %get3A_219 = vector.shape_cast %get3A_218 : vector<1x16xf32> to vector<16xf32>
      %mul3A_220 = arith.constant 4 : i32
      %mul3A_221 = arith.muli %scan3A_132, %mul3A_220 : i32
      %add3A_222 = arith.constant 1 : i32
      %add3A_223 = arith.addi %mul3A_221, %add3A_222 : i32
      %get3A_224 = arith.index_cast %add3A_223 : i32 to index
      %get3A_225 = arith.constant 32 : index
      %get3A_226 = tpu.vector_load %arg5[%get3A_224, %get3A_225] {strides = array<i32>} : memref<128x128xf32, #tpu.memory_space<vmem>>, vector<1x16xf32>,
      %get3A_227 = vector.shape_cast %get3A_226 : vector<1x16xf32> to vector<16xf32>
      %mul3A_228 = arith.constant 4 : i32
      %mul3A_229 = arith.muli %scan3A_132, %mul3A_228 : i32
      %add3A_230 = arith.constant 2 : i32
      %add3A_231 = arith.addi %mul3A_229, %add3A_230 : i32
      %get3A_232 = arith.index_cast %add3A_231 : i32 to index
      %get3A_233 = arith.constant 32 : index
      %get3A_234 = tpu.vector_load %arg5[%get3A_232, %get3A_233] {strides = array<i32>} : memref<128x128xf32, #tpu.memory_space<vmem>>, vector<1x16xf32>,
      %get3A_235 = vector.shape_cast %get3A_234 : vector<1x16xf32> to vector<16xf32>
      %mul3A_236 = arith.constant 4 : i32
      %mul3A_237 = arith.muli %scan3A_132, %mul3A_236 : i32
      %add3A_238 = arith.constant 3 : i32
      %add3A_239 = arith.addi %mul3A_237, %add3A_238 : i32
      %get3A_240 = arith.index_cast %add3A_239 : i32 to index
      %get3A_241 = arith.constant 32 : index
      %get3A_242 = tpu.vector_load %arg5[%get3A_240, %get3A_241] {strides = array<i32>} : memref<128x128xf32, #tpu.memory_space<vmem>>, vector<1x16xf32>,
      %get3A_243 = vector.shape_cast %get3A_242 : vector<1x16xf32> to vector<16xf32>
      %add3A_244 = arith.addf %get3A_219, %get3A_227 : vector<16xf32>
      %add3A_245 = arith.addf %get3A_235, %get3A_243 : vector<16xf32>
      %add3A_246 = arith.addf %add3A_244, %add3A_245 : vector<16xf32>
      %add3A_247 = arith.addf %scan3A_135, %add3A_246 : vector<16xf32>
      %mul3A_248 = arith.constant 4 : i32
      %mul3A_249 = arith.muli %scan3A_132, %mul3A_248 : i32
      %add3A_250 = arith.constant 0 : i32
      %add3A_251 = arith.addi %mul3A_249, %add3A_250 : i32
      %get3A_252 = arith.index_cast %add3A_251 : i32 to index
      %get3A_253 = arith.constant 48 : index
      %get3A_254 = tpu.vector_load %arg5[%get3A_252, %get3A_253] {strides = array<i32>} : memref<128x128xf32, #tpu.memory_space<vmem>>, vector<1x16xf32>,
      %get3A_255 = vector.shape_cast %get3A_254 : vector<1x16xf32> to vector<16xf32>
      %mul3A_256 = arith.constant 4 : i32
      %mul3A_257 = arith.muli %scan3A_132, %mul3A_256 : i32
      %add3A_258 = arith.constant 1 : i32
      %add3A_259 = arith.addi %mul3A_257, %add3A_258 : i32
      %get3A_260 = arith.index_cast %add3A_259 : i32 to index
      %get3A_261 = arith.constant 48 : index
      %get3A_262 = tpu.vector_load %arg5[%get3A_260, %get3A_261] {strides = array<i32>} : memref<128x128xf32, #tpu.memory_space<vmem>>, vector<1x16xf32>,
      %get3A_263 = vector.shape_cast %get3A_262 : vector<1x16xf32> to vector<16xf32>
      %mul3A_264 = arith.constant 4 : i32
      %mul3A_265 = arith.muli %scan3A_132, %mul3A_264 : i32
      %add3A_266 = arith.constant 2 : i32
      %add3A_267 = arith.addi %mul3A_265, %add3A_266 : i32
      %get3A_268 = arith.index_cast %add3A_267 : i32 to index
      %get3A_269 = arith.constant 48 : index
      %get3A_270 = tpu.vector_load %arg5[%get3A_268, %get3A_269] {strides = array<i32>} : memref<128x128xf32, #tpu.memory_space<vmem>>, vector<1x16xf32>,
      %get3A_271 = vector.shape_cast %get3A_270 : vector<1x16xf32> to vector<16xf32>
      %mul3A_272 = arith.constant 4 : i32
      %mul3A_273 = arith.muli %scan3A_132, %mul3A_272 : i32
      %add3A_274 = arith.constant 3 : i32
      %add3A_275 = arith.addi %mul3A_273, %add3A_274 : i32
      %get3A_276 = arith.index_cast %add3A_275 : i32 to index
      %get3A_277 = arith.constant 48 : index
      %get3A_278 = tpu.vector_load %arg5[%get3A_276, %get3A_277] {strides = array<i32>} : memref<128x128xf32, #tpu.memory_space<vmem>>, vector<1x16xf32>,
      %get3A_279 = vector.shape_cast %get3A_278 : vector<1x16xf32> to vector<16xf32>
      %add3A_280 = arith.addf %get3A_255, %get3A_263 : vector<16xf32>
      %add3A_281 = arith.addf %get3A_271, %get3A_279 : vector<16xf32>
      %add3A_282 = arith.addf %add3A_280, %add3A_281 : vector<16xf32>
      %add3A_283 = arith.addf %scan3A_136, %add3A_282 : vector<16xf32>
      %mul3A_284 = arith.constant 4 : i32
      %mul3A_285 = arith.muli %scan3A_132, %mul3A_284 : i32
      %add3A_286 = arith.constant 0 : i32
      %add3A_287 = arith.addi %mul3A_285, %add3A_286 : i32
      %get3A_288 = arith.index_cast %add3A_287 : i32 to index
      %get3A_289 = arith.constant 64 : index
      %get3A_290 = tpu.vector_load %arg5[%get3A_288, %get3A_289] {strides = array<i32>} : memref<128x128xf32, #tpu.memory_space<vmem>>, vector<1x16xf32>,
      %get3A_291 = vector.shape_cast %get3A_290 : vector<1x16xf32> to vector<16xf32>
      %mul3A_292 = arith.constant 4 : i32
      %mul3A_293 = arith.muli %scan3A_132, %mul3A_292 : i32
      %add3A_294 = arith.constant 1 : i32
      %add3A_295 = arith.addi %mul3A_293, %add3A_294 : i32
      %get3A_296 = arith.index_cast %add3A_295 : i32 to index
      %get3A_297 = arith.constant 64 : index
      %get3A_298 = tpu.vector_load %arg5[%get3A_296, %get3A_297] {strides = array<i32>} : memref<128x128xf32, #tpu.memory_space<vmem>>, vector<1x16xf32>,
      %get3A_299 = vector.shape_cast %get3A_298 : vector<1x16xf32> to vector<16xf32>
      %mul3A_300 = arith.constant 4 : i32
      %mul3A_301 = arith.muli %scan3A_132, %mul3A_300 : i32
      %add3A_302 = arith.constant 2 : i32
      %add3A_303 = arith.addi %mul3A_301, %add3A_302 : i32
      %get3A_304 = arith.index_cast %add3A_303 : i32 to index
      %get3A_305 = arith.constant 64 : index
      %get3A_306 = tpu.vector_load %arg5[%get3A_304, %get3A_305] {strides = array<i32>} : memref<128x128xf32, #tpu.memory_space<vmem>>, vector<1x16xf32>,
      %get3A_307 = vector.shape_cast %get3A_306 : vector<1x16xf32> to vector<16xf32>
      %mul3A_308 = arith.constant 4 : i32
      %mul3A_309 = arith.muli %scan3A_132, %mul3A_308 : i32
      %add3A_310 = arith.constant 3 : i32
      %add3A_311 = arith.addi %mul3A_309, %add3A_310 : i32
      %get3A_312 = arith.index_cast %add3A_311 : i32 to index
      %get3A_313 = arith.constant 64 : index
      %get3A_314 = tpu.vector_load %arg5[%get3A_312, %get3A_313] {strides = array<i32>} : memref<128x128xf32, #tpu.memory_space<vmem>>, vector<1x16xf32>,
      %get3A_315 = vector.shape_cast %get3A_314 : vector<1x16xf32> to vector<16xf32>
      %add3A_316 = arith.addf %get3A_291, %get3A_299 : vector<16xf32>
      %add3A_317 = arith.addf %get3A_307, %get3A_315 : vector<16xf32>
      %add3A_318 = arith.addf %add3A_316, %add3A_317 : vector<16xf32>
      %add3A_319 = arith.addf %scan3A_137, %add3A_318 : vector<16xf32>
      %mul3A_320 = arith.constant 4 : i32
      %mul3A_321 = arith.muli %scan3A_132, %mul3A_320 : i32
      %add3A_322 = arith.constant 0 : i32
      %add3A_323 = arith.addi %mul3A_321, %add3A_322 : i32
      %get3A_324 = arith.index_cast %add3A_323 : i32 to index
      %get3A_325 = arith.constant 80 : index
      %get3A_326 = tpu.vector_load %arg5[%get3A_324, %get3A_325] {strides = array<i32>} : memref<128x128xf32, #tpu.memory_space<vmem>>, vector<1x16xf32>,
      %get3A_327 = vector.shape_cast %get3A_326 : vector<1x16xf32> to vector<16xf32>
      %mul3A_328 = arith.constant 4 : i32
      %mul3A_329 = arith.muli %scan3A_132, %mul3A_328 : i32
      %add3A_330 = arith.constant 1 : i32
      %add3A_331 = arith.addi %mul3A_329, %add3A_330 : i32
      %get3A_332 = arith.index_cast %add3A_331 : i32 to index
      %get3A_333 = arith.constant 80 : index
      %get3A_334 = tpu.vector_load %arg5[%get3A_332, %get3A_333] {strides = array<i32>} : memref<128x128xf32, #tpu.memory_space<vmem>>, vector<1x16xf32>,
      %get3A_335 = vector.shape_cast %get3A_334 : vector<1x16xf32> to vector<16xf32>
      %mul3A_336 = arith.constant 4 : i32
      %mul3A_337 = arith.muli %scan3A_132, %mul3A_336 : i32
      %add3A_338 = arith.constant 2 : i32
      %add3A_339 = arith.addi %mul3A_337, %add3A_338 : i32
      %get3A_340 = arith.index_cast %add3A_339 : i32 to index
      %get3A_341 = arith.constant 80 : index
      %get3A_342 = tpu.vector_load %arg5[%get3A_340, %get3A_341] {strides = array<i32>} : memref<128x128xf32, #tpu.memory_space<vmem>>, vector<1x16xf32>,
      %get3A_343 = vector.shape_cast %get3A_342 : vector<1x16xf32> to vector<16xf32>
      %mul3A_344 = arith.constant 4 : i32
      %mul3A_345 = arith.muli %scan3A_132, %mul3A_344 : i32
      %add3A_346 = arith.constant 3 : i32
      %add3A_347 = arith.addi %mul3A_345, %add3A_346 : i32
      %get3A_348 = arith.index_cast %add3A_347 : i32 to index
      %get3A_349 = arith.constant 80 : index
      %get3A_350 = tpu.vector_load %arg5[%get3A_348, %get3A_349] {strides = array<i32>} : memref<128x128xf32, #tpu.memory_space<vmem>>, vector<1x16xf32>,
      %get3A_351 = vector.shape_cast %get3A_350 : vector<1x16xf32> to vector<16xf32>
      %add3A_352 = arith.addf %get3A_327, %get3A_335 : vector<16xf32>
      %add3A_353 = arith.addf %get3A_343, %get3A_351 : vector<16xf32>
      %add3A_354 = arith.addf %add3A_352, %add3A_353 : vector<16xf32>
      %add3A_355 = arith.addf %scan3A_138, %add3A_354 : vector<16xf32>
      %mul3A_356 = arith.constant 4 : i32
      %mul3A_357 = arith.muli %scan3A_132, %mul3A_356 : i32
      %add3A_358 = arith.constant 0 : i32
      %add3A_359 = arith.addi %mul3A_357, %add3A_358 : i32
      %get3A_360 = arith.index_cast %add3A_359 : i32 to index
      %get3A_361 = arith.constant 96 : index
      %get3A_362 = tpu.vector_load %arg5[%get3A_360, %get3A_361] {strides = array<i32>} : memref<128x128xf32, #tpu.memory_space<vmem>>, vector<1x16xf32>,
      %get3A_363 = vector.shape_cast %get3A_362 : vector<1x16xf32> to vector<16xf32>
      %mul3A_364 = arith.constant 4 : i32
      %mul3A_365 = arith.muli %scan3A_132, %mul3A_364 : i32
      %add3A_366 = arith.constant 1 : i32
      %add3A_367 = arith.addi %mul3A_365, %add3A_366 : i32
      %get3A_368 = arith.index_cast %add3A_367 : i32 to index
      %get3A_369 = arith.constant 96 : index
      %get3A_370 = tpu.vector_load %arg5[%get3A_368, %get3A_369] {strides = array<i32>} : memref<128x128xf32, #tpu.memory_space<vmem>>, vector<1x16xf32>,
      %get3A_371 = vector.shape_cast %get3A_370 : vector<1x16xf32> to vector<16xf32>
      %mul3A_372 = arith.constant 4 : i32
      %mul3A_373 = arith.muli %scan3A_132, %mul3A_372 : i32
      %add3A_374 = arith.constant 2 : i32
      %add3A_375 = arith.addi %mul3A_373, %add3A_374 : i32
      %get3A_376 = arith.index_cast %add3A_375 : i32 to index
      %get3A_377 = arith.constant 96 : index
      %get3A_378 = tpu.vector_load %arg5[%get3A_376, %get3A_377] {strides = array<i32>} : memref<128x128xf32, #tpu.memory_space<vmem>>, vector<1x16xf32>,
      %get3A_379 = vector.shape_cast %get3A_378 : vector<1x16xf32> to vector<16xf32>
      %mul3A_380 = arith.constant 4 : i32
      %mul3A_381 = arith.muli %scan3A_132, %mul3A_380 : i32
      %add3A_382 = arith.constant 3 : i32
      %add3A_383 = arith.addi %mul3A_381, %add3A_382 : i32
      %get3A_384 = arith.index_cast %add3A_383 : i32 to index
      %get3A_385 = arith.constant 96 : index
      %get3A_386 = tpu.vector_load %arg5[%get3A_384, %get3A_385] {strides = array<i32>} : memref<128x128xf32, #tpu.memory_space<vmem>>, vector<1x16xf32>,
      %get3A_387 = vector.shape_cast %get3A_386 : vector<1x16xf32> to vector<16xf32>
      %add3A_388 = arith.addf %get3A_363, %get3A_371 : vector<16xf32>
      %add3A_389 = arith.addf %get3A_379, %get3A_387 : vector<16xf32>
      %add3A_390 = arith.addf %add3A_388, %add3A_389 : vector<16xf32>
      %add3A_391 = arith.addf %scan3A_139, %add3A_390 : vector<16xf32>
      %mul3A_392 = arith.constant 4 : i32
      %mul3A_393 = arith.muli %scan3A_132, %mul3A_392 : i32
      %add3A_394 = arith.constant 0 : i32
      %add3A_395 = arith.addi %mul3A_393, %add3A_394 : i32
      %get3A_396 = arith.index_cast %add3A_395 : i32 to index
      %get3A_397 = arith.constant 112 : index
      %get3A_398 = tpu.vector_load %arg5[%get3A_396, %get3A_397] {strides = array<i32>} : memref<128x128xf32, #tpu.memory_space<vmem>>, vector<1x16xf32>,
      %get3A_399 = vector.shape_cast %get3A_398 : vector<1x16xf32> to vector<16xf32>
      %mul3A_400 = arith.constant 4 : i32
      %mul3A_401 = arith.muli %scan3A_132, %mul3A_400 : i32
      %add3A_402 = arith.constant 1 : i32
      %add3A_403 = arith.addi %mul3A_401, %add3A_402 : i32
      %get3A_404 = arith.index_cast %add3A_403 : i32 to index
      %get3A_405 = arith.constant 112 : index
      %get3A_406 = tpu.vector_load %arg5[%get3A_404, %get3A_405] {strides = array<i32>} : memref<128x128xf32, #tpu.memory_space<vmem>>, vector<1x16xf32>,
      %get3A_407 = vector.shape_cast %get3A_406 : vector<1x16xf32> to vector<16xf32>
      %mul3A_408 = arith.constant 4 : i32
      %mul3A_409 = arith.muli %scan3A_132, %mul3A_408 : i32
      %add3A_410 = arith.constant 2 : i32
      %add3A_411 = arith.addi %mul3A_409, %add3A_410 : i32
      %get3A_412 = arith.index_cast %add3A_411 : i32 to index
      %get3A_413 = arith.constant 112 : index
      %get3A_414 = tpu.vector_load %arg5[%get3A_412, %get3A_413] {strides = array<i32>} : memref<128x128xf32, #tpu.memory_space<vmem>>, vector<1x16xf32>,
      %get3A_415 = vector.shape_cast %get3A_414 : vector<1x16xf32> to vector<16xf32>
      %mul3A_416 = arith.constant 4 : i32
      %mul3A_417 = arith.muli %scan3A_132, %mul3A_416 : i32
      %add3A_418 = arith.constant 3 : i32
      %add3A_419 = arith.addi %mul3A_417, %add3A_418 : i32
      %get3A_420 = arith.index_cast %add3A_419 : i32 to index
      %get3A_421 = arith.constant 112 : index
      %get3A_422 = tpu.vector_load %arg5[%get3A_420, %get3A_421] {strides = array<i32>} : memref<128x128xf32, #tpu.memory_space<vmem>>, vector<1x16xf32>,
      %get3A_423 = vector.shape_cast %get3A_422 : vector<1x16xf32> to vector<16xf32>
      %add3A_424 = arith.addf %get3A_399, %get3A_407 : vector<16xf32>
      %add3A_425 = arith.addf %get3A_415, %get3A_423 : vector<16xf32>
      %add3A_426 = arith.addf %add3A_424, %add3A_425 : vector<16xf32>
      %add3A_427 = arith.addf %scan3A_140, %add3A_426 : vector<16xf32>
      scf.yield %add3A_175, %add3A_211, %add3A_247, %add3A_283, %add3A_319, %add3A_355, %add3A_391, %add3A_427 : vector<16xf32>, vector<16xf32>, vector<16xf32>, vector<16xf32>, vector<16xf32>, vector<16xf32>, vector<16xf32>, vector<16xf32>
    }
    %scan3A_97 = arith.constant 32 : i32
    %swap3A = arith.constant 0 : index
    %swap3A_98 = tpu.vector_load %arg6[%swap3A] {strides = array<i32>} : memref<128xf32, #tpu.memory_space<vmem>>, vector<16xf32>,
    %swap3A_99 = vector.shape_cast %swap3A_98 : vector<16xf32> to vector<16xf32>
    %swap3A_100 = vector.shape_cast %scan3A_96#0 : vector<16xf32> to vector<16xf32>
    tpu.vector_store %arg6[%swap3A], %swap3A_100 {strides = array<i32>} : memref<128xf32, #tpu.memory_space<vmem>>, vector<16xf32>,
    %swap3A_101 = arith.constant 16 : index
    %swap3A_102 = tpu.vector_load %arg6[%swap3A_101] {strides = array<i32>} : memref<128xf32, #tpu.memory_space<vmem>>, vector<16xf32>,
    %swap3A_103 = vector.shape_cast %swap3A_102 : vector<16xf32> to vector<16xf32>
    %swap3A_104 = vector.shape_cast %scan3A_96#1 : vector<16xf32> to vector<16xf32>
    tpu.vector_store %arg6[%swap3A_101], %swap3A_104 {strides = array<i32>} : memref<128xf32, #tpu.memory_space<vmem>>, vector<16xf32>,
    %swap3A_105 = arith.constant 32 : index
    %swap3A_106 = tpu.vector_load %arg6[%swap3A_105] {strides = array<i32>} : memref<128xf32, #tpu.memory_space<vmem>>, vector<16xf32>,
    %swap3A_107 = vector.shape_cast %swap3A_106 : vector<16xf32> to vector<16xf32>
    %swap3A_108 = vector.shape_cast %scan3A_96#2 : vector<16xf32> to vector<16xf32>
    tpu.vector_store %arg6[%swap3A_105], %swap3A_108 {strides = array<i32>} : memref<128xf32, #tpu.memory_space<vmem>>, vector<16xf32>,
    %swap3A_109 = arith.constant 48 : index
    %swap3A_110 = tpu.vector_load %arg6[%swap3A_109] {strides = array<i32>} : memref<128xf32, #tpu.memory_space<vmem>>, vector<16xf32>,
    %swap3A_111 = vector.shape_cast %swap3A_110 : vector<16xf32> to vector<16xf32>
    %swap3A_112 = vector.shape_cast %scan3A_96#3 : vector<16xf32> to vector<16xf32>
    tpu.vector_store %arg6[%swap3A_109], %swap3A_112 {strides = array<i32>} : memref<128xf32, #tpu.memory_space<vmem>>, vector<16xf32>,
    %swap3A_113 = arith.constant 64 : index
    %swap3A_114 = tpu.vector_load %arg6[%swap3A_113] {strides = array<i32>} : memref<128xf32, #tpu.memory_space<vmem>>, vector<16xf32>,
    %swap3A_115 = vector.shape_cast %swap3A_114 : vector<16xf32> to vector<16xf32>
    %swap3A_116 = vector.shape_cast %scan3A_96#4 : vector<16xf32> to vector<16xf32>
    tpu.vector_store %arg6[%swap3A_113], %swap3A_116 {strides = array<i32>} : memref<128xf32, #tpu.memory_space<vmem>>, vector<16xf32>,
    %swap3A_117 = arith.constant 80 : index
    %swap3A_118 = tpu.vector_load %arg6[%swap3A_117] {strides = array<i32>} : memref<128xf32, #tpu.memory_space<vmem>>, vector<16xf32>,
    %swap3A_119 = vector.shape_cast %swap3A_118 : vector<16xf32> to vector<16xf32>
    %swap3A_120 = vector.shape_cast %scan3A_96#5 : vector<16xf32> to vector<16xf32>
    tpu.vector_store %arg6[%swap3A_117], %swap3A_120 {strides = array<i32>} : memref<128xf32, #tpu.memory_space<vmem>>, vector<16xf32>,
    %swap3A_121 = arith.constant 96 : index
    %swap3A_122 = tpu.vector_load %arg6[%swap3A_121] {strides = array<i32>} : memref<128xf32, #tpu.memory_space<vmem>>, vector<16xf32>,
    %swap3A_123 = vector.shape_cast %swap3A_122 : vector<16xf32> to vector<16xf32>
    %swap3A_124 = vector.shape_cast %scan3A_96#6 : vector<16xf32> to vector<16xf32>
    tpu.vector_store %arg6[%swap3A_121], %swap3A_124 {strides = array<i32>} : memref<128xf32, #tpu.memory_space<vmem>>, vector<16xf32>,
    %swap3A_125 = arith.constant 112 : index
    %swap3A_126 = tpu.vector_load %arg6[%swap3A_125] {strides = array<i32>} : memref<128xf32, #tpu.memory_space<vmem>>, vector<16xf32>,
    %swap3A_127 = vector.shape_cast %swap3A_126 : vector<16xf32> to vector<16xf32>
    %swap3A_128 = vector.shape_cast %scan3A_96#7 : vector<16xf32> to vector<16xf32>
    tpu.vector_store %arg6[%swap3A_125], %swap3A_128 {strides = array<i32>} : memref<128xf32, #tpu.memory_space<vmem>>, vector<16xf32>,
    "tpu.region"() ({
      %run_scoped3A = tpu.sem_alloc : memref<!tpu.dma_semaphore, #tpu.memory_space<semaphore_mem>>
      %dma_start3A_132 = arith.constant 0 : i32
      %dma_start3A_133 = tpu.memref_slice %arg8[%arg1, %dma_start3A_132] : memref<16x128xf32, #tpu.memory_space<vmem_shared>> -> memref<1x128xf32, #tpu.memory_space<vmem_shared>>
      %dma_start3A_134 = tpu.memref_squeeze %dma_start3A_133 : memref<1x128xf32, #tpu.memory_space<vmem_shared>> -> memref<128xf32, #tpu.memory_space<vmem_shared>>
      %dma_start3A_135 = arith.constant 0 : i32
      %dma_start3A_136 = tpu.memref_slice %arg8[%arg1, %dma_start3A_135] : memref<16x128xf32, #tpu.memory_space<vmem_shared>> -> memref<1x128xf32, #tpu.memory_space<vmem_shared>>
      %dma_start3A_137 = tpu.memref_squeeze %dma_start3A_136 : memref<1x128xf32, #tpu.memory_space<vmem_shared>> -> memref<128xf32, #tpu.memory_space<vmem_shared>>
      tpu.enqueue_dma source(%arg6 : memref<128xf32, #tpu.memory_space<vmem>>) target(%dma_start3A_137 : memref<128xf32, #tpu.memory_space<vmem_shared>>) target_semaphore(%run_scoped3A : memref<!tpu.dma_semaphore, #tpu.memory_space<semaphore_mem>>)
      %dma_wait3A_138 = arith.constant 0 : i32
      %dma_wait3A_139 = tpu.memref_slice %arg8[%arg1, %dma_wait3A_138] : memref<16x128xf32, #tpu.memory_space<vmem_shared>> -> memref<1x128xf32, #tpu.memory_space<vmem_shared>>
      %dma_wait3A_140 = tpu.memref_squeeze %dma_wait3A_139 : memref<1x128xf32, #tpu.memory_space<vmem_shared>> -> memref<128xf32, #tpu.memory_space<vmem_shared>>
      %dma_wait3A_141 = arith.constant 0 : i32
      %dma_wait3A_142 = tpu.memref_slice %arg8[%arg1, %dma_wait3A_141] : memref<16x128xf32, #tpu.memory_space<vmem_shared>> -> memref<1x128xf32, #tpu.memory_space<vmem_shared>>
      %dma_wait3A_143 = tpu.memref_squeeze %dma_wait3A_142 : memref<1x128xf32, #tpu.memory_space<vmem_shared>> -> memref<128xf32, #tpu.memory_space<vmem_shared>>
      tpu.wait_dma2 semaphore(%run_scoped3A : memref<!tpu.dma_semaphore, #tpu.memory_space<semaphore_mem>>) src(%arg6 : memref<128xf32, #tpu.memory_space<vmem>>) dst(%dma_wait3A_143 : memref<128xf32, #tpu.memory_space<vmem_shared>>)
      tpu.yield
    }) : () -> ()
    %barrier3A = arith.constant 0 : index
    tpu.barrier barrier_id(%barrier3A)
    %lt3A_129 = arith.constant 4 : i32
    %lt3A_130 = arith.cmpi slt, %arg1, %lt3A_129 : i32
    %convert_element_type3A = arith.extui %lt3A_130 : i1 to i32
    %cond3A = arith.constant 0 : i32
    %cond3A_131 = arith.cmpi ne, %convert_element_type3A, %cond3A : i32
    scf.if %cond3A_131 {
      %mul3A_132 = arith.constant 4 : i32
      %mul3A_133 = arith.muli %mul3A_132, %arg1 : i32
      "tpu.region"() ({
        %run_scoped3A = tpu.sem_alloc : memref<!tpu.dma_semaphore, #tpu.memory_space<semaphore_mem>>
        %dma_start3A_362 = arith.constant 0 : i32
        %dma_start3A_363 = tpu.memref_slice %arg8[%mul3A_133, %dma_start3A_362] : memref<16x128xf32, #tpu.memory_space<vmem_shared>> -> memref<4x128xf32, #tpu.memory_space<vmem_shared>>
        %dma_start3A_364 = arith.constant 0 : i32
        %dma_start3A_365 = tpu.memref_slice %arg8[%mul3A_133, %dma_start3A_364] : memref<16x128xf32, #tpu.memory_space<vmem_shared>> -> memref<4x128xf32, #tpu.memory_space<vmem_shared>>
        tpu.enqueue_dma source(%dma_start3A_365 : memref<4x128xf32, #tpu.memory_space<vmem_shared>>) target(%arg7 : memref<4x128xf32, #tpu.memory_space<vmem>>) target_semaphore(%run_scoped3A : memref<!tpu.dma_semaphore, #tpu.memory_space<semaphore_mem>>)
        %dma_wait3A_366 = arith.constant 0 : i32
        %dma_wait3A_367 = tpu.memref_slice %arg8[%mul3A_133, %dma_wait3A_366] : memref<16x128xf32, #tpu.memory_space<vmem_shared>> -> memref<4x128xf32, #tpu.memory_space<vmem_shared>>
        %dma_wait3A_368 = arith.constant 0 : i32
        %dma_wait3A_369 = tpu.memref_slice %arg8[%mul3A_133, %dma_wait3A_368] : memref<16x128xf32, #tpu.memory_space<vmem_shared>> -> memref<4x128xf32, #tpu.memory_space<vmem_shared>>
        tpu.wait_dma2 semaphore(%run_scoped3A : memref<!tpu.dma_semaphore, #tpu.memory_space<semaphore_mem>>) src(%dma_wait3A_369 : memref<4x128xf32, #tpu.memory_space<vmem_shared>>) dst(%arg7 : memref<4x128xf32, #tpu.memory_space<vmem>>)
        tpu.yield
      }) : () -> ()
      %broadcast_in_dim3A_134 = arith.constant 4.8828125E-4 : f32
      %broadcast_in_dim3A_135 = vector.broadcast %broadcast_in_dim3A_134 : f32 to vector<16xf32>
      %get3A = arith.constant 0 : i32
      %get3A_136 = arith.index_cast %get3A : i32 to index
      %get3A_137 = arith.constant 0 : index
      %get3A_138 = tpu.vector_load %arg7[%get3A_136, %get3A_137] {strides = array<i32>} : memref<4x128xf32, #tpu.memory_space<vmem>>, vector<1x16xf32>,
      %get3A_139 = vector.shape_cast %get3A_138 : vector<1x16xf32> to vector<16xf32>
      %get3A_140 = arith.constant 1 : i32
      %get3A_141 = arith.index_cast %get3A_140 : i32 to index
      %get3A_142 = arith.constant 0 : index
      %get3A_143 = tpu.vector_load %arg7[%get3A_141, %get3A_142] {strides = array<i32>} : memref<4x128xf32, #tpu.memory_space<vmem>>, vector<1x16xf32>,
      %get3A_144 = vector.shape_cast %get3A_143 : vector<1x16xf32> to vector<16xf32>
      %get3A_145 = arith.constant 2 : i32
      %get3A_146 = arith.index_cast %get3A_145 : i32 to index
      %get3A_147 = arith.constant 0 : index
      %get3A_148 = tpu.vector_load %arg7[%get3A_146, %get3A_147] {strides = array<i32>} : memref<4x128xf32, #tpu.memory_space<vmem>>, vector<1x16xf32>,
      %get3A_149 = vector.shape_cast %get3A_148 : vector<1x16xf32> to vector<16xf32>
      %get3A_150 = arith.constant 3 : i32
      %get3A_151 = arith.index_cast %get3A_150 : i32 to index
      %get3A_152 = arith.constant 0 : index
      %get3A_153 = tpu.vector_load %arg7[%get3A_151, %get3A_152] {strides = array<i32>} : memref<4x128xf32, #tpu.memory_space<vmem>>, vector<1x16xf32>,
      %get3A_154 = vector.shape_cast %get3A_153 : vector<1x16xf32> to vector<16xf32>
      %add3A_155 = arith.addf %get3A_139, %get3A_144 : vector<16xf32>
      %add3A_156 = arith.addf %get3A_149, %get3A_154 : vector<16xf32>
      %add3A_157 = arith.addf %add3A_155, %add3A_156 : vector<16xf32>
      %mul3A_158 = arith.mulf %add3A_157, %broadcast_in_dim3A_135 : vector<16xf32>
      %swap3A_159 = arith.constant 0 : index
      %swap3A_160 = tpu.vector_load %arg6[%swap3A_159] {strides = array<i32>} : memref<128xf32, #tpu.memory_space<vmem>>, vector<16xf32>,
      %swap3A_161 = vector.shape_cast %swap3A_160 : vector<16xf32> to vector<16xf32>
      %swap3A_162 = vector.shape_cast %mul3A_158 : vector<16xf32> to vector<16xf32>
      tpu.vector_store %arg6[%swap3A_159], %swap3A_162 {strides = array<i32>} : memref<128xf32, #tpu.memory_space<vmem>>, vector<16xf32>,
      %get3A_163 = arith.constant 0 : i32
      %get3A_164 = arith.index_cast %get3A_163 : i32 to index
      %get3A_165 = arith.constant 16 : index
      %get3A_166 = tpu.vector_load %arg7[%get3A_164, %get3A_165] {strides = array<i32>} : memref<4x128xf32, #tpu.memory_space<vmem>>, vector<1x16xf32>,
      %get3A_167 = vector.shape_cast %get3A_166 : vector<1x16xf32> to vector<16xf32>
      %get3A_168 = arith.constant 1 : i32
      %get3A_169 = arith.index_cast %get3A_168 : i32 to index
      %get3A_170 = arith.constant 16 : index
      %get3A_171 = tpu.vector_load %arg7[%get3A_169, %get3A_170] {strides = array<i32>} : memref<4x128xf32, #tpu.memory_space<vmem>>, vector<1x16xf32>,
      %get3A_172 = vector.shape_cast %get3A_171 : vector<1x16xf32> to vector<16xf32>
      %get3A_173 = arith.constant 2 : i32
      %get3A_174 = arith.index_cast %get3A_173 : i32 to index
      %get3A_175 = arith.constant 16 : index
      %get3A_176 = tpu.vector_load %arg7[%get3A_174, %get3A_175] {strides = array<i32>} : memref<4x128xf32, #tpu.memory_space<vmem>>, vector<1x16xf32>,
      %get3A_177 = vector.shape_cast %get3A_176 : vector<1x16xf32> to vector<16xf32>
      %get3A_178 = arith.constant 3 : i32
      %get3A_179 = arith.index_cast %get3A_178 : i32 to index
      %get3A_180 = arith.constant 16 : index
      %get3A_181 = tpu.vector_load %arg7[%get3A_179, %get3A_180] {strides = array<i32>} : memref<4x128xf32, #tpu.memory_space<vmem>>, vector<1x16xf32>,
      %get3A_182 = vector.shape_cast %get3A_181 : vector<1x16xf32> to vector<16xf32>
      %add3A_183 = arith.addf %get3A_167, %get3A_172 : vector<16xf32>
      %add3A_184 = arith.addf %get3A_177, %get3A_182 : vector<16xf32>
      %add3A_185 = arith.addf %add3A_183, %add3A_184 : vector<16xf32>
      %mul3A_186 = arith.mulf %add3A_185, %broadcast_in_dim3A_135 : vector<16xf32>
      %swap3A_187 = arith.constant 16 : index
      %swap3A_188 = tpu.vector_load %arg6[%swap3A_187] {strides = array<i32>} : memref<128xf32, #tpu.memory_space<vmem>>, vector<16xf32>,
      %swap3A_189 = vector.shape_cast %swap3A_188 : vector<16xf32> to vector<16xf32>
      %swap3A_190 = vector.shape_cast %mul3A_186 : vector<16xf32> to vector<16xf32>
      tpu.vector_store %arg6[%swap3A_187], %swap3A_190 {strides = array<i32>} : memref<128xf32, #tpu.memory_space<vmem>>, vector<16xf32>,
      %get3A_191 = arith.constant 0 : i32
      %get3A_192 = arith.index_cast %get3A_191 : i32 to index
      %get3A_193 = arith.constant 32 : index
      %get3A_194 = tpu.vector_load %arg7[%get3A_192, %get3A_193] {strides = array<i32>} : memref<4x128xf32, #tpu.memory_space<vmem>>, vector<1x16xf32>,
      %get3A_195 = vector.shape_cast %get3A_194 : vector<1x16xf32> to vector<16xf32>
      %get3A_196 = arith.constant 1 : i32
      %get3A_197 = arith.index_cast %get3A_196 : i32 to index
      %get3A_198 = arith.constant 32 : index
      %get3A_199 = tpu.vector_load %arg7[%get3A_197, %get3A_198] {strides = array<i32>} : memref<4x128xf32, #tpu.memory_space<vmem>>, vector<1x16xf32>,
      %get3A_200 = vector.shape_cast %get3A_199 : vector<1x16xf32> to vector<16xf32>
      %get3A_201 = arith.constant 2 : i32
      %get3A_202 = arith.index_cast %get3A_201 : i32 to index
      %get3A_203 = arith.constant 32 : index
      %get3A_204 = tpu.vector_load %arg7[%get3A_202, %get3A_203] {strides = array<i32>} : memref<4x128xf32, #tpu.memory_space<vmem>>, vector<1x16xf32>,
      %get3A_205 = vector.shape_cast %get3A_204 : vector<1x16xf32> to vector<16xf32>
      %get3A_206 = arith.constant 3 : i32
      %get3A_207 = arith.index_cast %get3A_206 : i32 to index
      %get3A_208 = arith.constant 32 : index
      %get3A_209 = tpu.vector_load %arg7[%get3A_207, %get3A_208] {strides = array<i32>} : memref<4x128xf32, #tpu.memory_space<vmem>>, vector<1x16xf32>,
      %get3A_210 = vector.shape_cast %get3A_209 : vector<1x16xf32> to vector<16xf32>
      %add3A_211 = arith.addf %get3A_195, %get3A_200 : vector<16xf32>
      %add3A_212 = arith.addf %get3A_205, %get3A_210 : vector<16xf32>
      %add3A_213 = arith.addf %add3A_211, %add3A_212 : vector<16xf32>
      %mul3A_214 = arith.mulf %add3A_213, %broadcast_in_dim3A_135 : vector<16xf32>
      %swap3A_215 = arith.constant 32 : index
      %swap3A_216 = tpu.vector_load %arg6[%swap3A_215] {strides = array<i32>} : memref<128xf32, #tpu.memory_space<vmem>>, vector<16xf32>,
      %swap3A_217 = vector.shape_cast %swap3A_216 : vector<16xf32> to vector<16xf32>
      %swap3A_218 = vector.shape_cast %mul3A_214 : vector<16xf32> to vector<16xf32>
      tpu.vector_store %arg6[%swap3A_215], %swap3A_218 {strides = array<i32>} : memref<128xf32, #tpu.memory_space<vmem>>, vector<16xf32>,
      %get3A_219 = arith.constant 0 : i32
      %get3A_220 = arith.index_cast %get3A_219 : i32 to index
      %get3A_221 = arith.constant 48 : index
      %get3A_222 = tpu.vector_load %arg7[%get3A_220, %get3A_221] {strides = array<i32>} : memref<4x128xf32, #tpu.memory_space<vmem>>, vector<1x16xf32>,
      %get3A_223 = vector.shape_cast %get3A_222 : vector<1x16xf32> to vector<16xf32>
      %get3A_224 = arith.constant 1 : i32
      %get3A_225 = arith.index_cast %get3A_224 : i32 to index
      %get3A_226 = arith.constant 48 : index
      %get3A_227 = tpu.vector_load %arg7[%get3A_225, %get3A_226] {strides = array<i32>} : memref<4x128xf32, #tpu.memory_space<vmem>>, vector<1x16xf32>,
      %get3A_228 = vector.shape_cast %get3A_227 : vector<1x16xf32> to vector<16xf32>
      %get3A_229 = arith.constant 2 : i32
      %get3A_230 = arith.index_cast %get3A_229 : i32 to index
      %get3A_231 = arith.constant 48 : index
      %get3A_232 = tpu.vector_load %arg7[%get3A_230, %get3A_231] {strides = array<i32>} : memref<4x128xf32, #tpu.memory_space<vmem>>, vector<1x16xf32>,
      %get3A_233 = vector.shape_cast %get3A_232 : vector<1x16xf32> to vector<16xf32>
      %get3A_234 = arith.constant 3 : i32
      %get3A_235 = arith.index_cast %get3A_234 : i32 to index
      %get3A_236 = arith.constant 48 : index
      %get3A_237 = tpu.vector_load %arg7[%get3A_235, %get3A_236] {strides = array<i32>} : memref<4x128xf32, #tpu.memory_space<vmem>>, vector<1x16xf32>,
      %get3A_238 = vector.shape_cast %get3A_237 : vector<1x16xf32> to vector<16xf32>
      %add3A_239 = arith.addf %get3A_223, %get3A_228 : vector<16xf32>
      %add3A_240 = arith.addf %get3A_233, %get3A_238 : vector<16xf32>
      %add3A_241 = arith.addf %add3A_239, %add3A_240 : vector<16xf32>
      %mul3A_242 = arith.mulf %add3A_241, %broadcast_in_dim3A_135 : vector<16xf32>
      %swap3A_243 = arith.constant 48 : index
      %swap3A_244 = tpu.vector_load %arg6[%swap3A_243] {strides = array<i32>} : memref<128xf32, #tpu.memory_space<vmem>>, vector<16xf32>,
      %swap3A_245 = vector.shape_cast %swap3A_244 : vector<16xf32> to vector<16xf32>
      %swap3A_246 = vector.shape_cast %mul3A_242 : vector<16xf32> to vector<16xf32>
      tpu.vector_store %arg6[%swap3A_243], %swap3A_246 {strides = array<i32>} : memref<128xf32, #tpu.memory_space<vmem>>, vector<16xf32>,
      %get3A_247 = arith.constant 0 : i32
      %get3A_248 = arith.index_cast %get3A_247 : i32 to index
      %get3A_249 = arith.constant 64 : index
      %get3A_250 = tpu.vector_load %arg7[%get3A_248, %get3A_249] {strides = array<i32>} : memref<4x128xf32, #tpu.memory_space<vmem>>, vector<1x16xf32>,
      %get3A_251 = vector.shape_cast %get3A_250 : vector<1x16xf32> to vector<16xf32>
      %get3A_252 = arith.constant 1 : i32
      %get3A_253 = arith.index_cast %get3A_252 : i32 to index
      %get3A_254 = arith.constant 64 : index
      %get3A_255 = tpu.vector_load %arg7[%get3A_253, %get3A_254] {strides = array<i32>} : memref<4x128xf32, #tpu.memory_space<vmem>>, vector<1x16xf32>,
      %get3A_256 = vector.shape_cast %get3A_255 : vector<1x16xf32> to vector<16xf32>
      %get3A_257 = arith.constant 2 : i32
      %get3A_258 = arith.index_cast %get3A_257 : i32 to index
      %get3A_259 = arith.constant 64 : index
      %get3A_260 = tpu.vector_load %arg7[%get3A_258, %get3A_259] {strides = array<i32>} : memref<4x128xf32, #tpu.memory_space<vmem>>, vector<1x16xf32>,
      %get3A_261 = vector.shape_cast %get3A_260 : vector<1x16xf32> to vector<16xf32>
      %get3A_262 = arith.constant 3 : i32
      %get3A_263 = arith.index_cast %get3A_262 : i32 to index
      %get3A_264 = arith.constant 64 : index
      %get3A_265 = tpu.vector_load %arg7[%get3A_263, %get3A_264] {strides = array<i32>} : memref<4x128xf32, #tpu.memory_space<vmem>>, vector<1x16xf32>,
      %get3A_266 = vector.shape_cast %get3A_265 : vector<1x16xf32> to vector<16xf32>
      %add3A_267 = arith.addf %get3A_251, %get3A_256 : vector<16xf32>
      %add3A_268 = arith.addf %get3A_261, %get3A_266 : vector<16xf32>
      %add3A_269 = arith.addf %add3A_267, %add3A_268 : vector<16xf32>
      %mul3A_270 = arith.mulf %add3A_269, %broadcast_in_dim3A_135 : vector<16xf32>
      %swap3A_271 = arith.constant 64 : index
      %swap3A_272 = tpu.vector_load %arg6[%swap3A_271] {strides = array<i32>} : memref<128xf32, #tpu.memory_space<vmem>>, vector<16xf32>,
      %swap3A_273 = vector.shape_cast %swap3A_272 : vector<16xf32> to vector<16xf32>
      %swap3A_274 = vector.shape_cast %mul3A_270 : vector<16xf32> to vector<16xf32>
      tpu.vector_store %arg6[%swap3A_271], %swap3A_274 {strides = array<i32>} : memref<128xf32, #tpu.memory_space<vmem>>, vector<16xf32>,
      %get3A_275 = arith.constant 0 : i32
      %get3A_276 = arith.index_cast %get3A_275 : i32 to index
      %get3A_277 = arith.constant 80 : index
      %get3A_278 = tpu.vector_load %arg7[%get3A_276, %get3A_277] {strides = array<i32>} : memref<4x128xf32, #tpu.memory_space<vmem>>, vector<1x16xf32>,
      %get3A_279 = vector.shape_cast %get3A_278 : vector<1x16xf32> to vector<16xf32>
      %get3A_280 = arith.constant 1 : i32
      %get3A_281 = arith.index_cast %get3A_280 : i32 to index
      %get3A_282 = arith.constant 80 : index
      %get3A_283 = tpu.vector_load %arg7[%get3A_281, %get3A_282] {strides = array<i32>} : memref<4x128xf32, #tpu.memory_space<vmem>>, vector<1x16xf32>,
      %get3A_284 = vector.shape_cast %get3A_283 : vector<1x16xf32> to vector<16xf32>
      %get3A_285 = arith.constant 2 : i32
      %get3A_286 = arith.index_cast %get3A_285 : i32 to index
      %get3A_287 = arith.constant 80 : index
      %get3A_288 = tpu.vector_load %arg7[%get3A_286, %get3A_287] {strides = array<i32>} : memref<4x128xf32, #tpu.memory_space<vmem>>, vector<1x16xf32>,
      %get3A_289 = vector.shape_cast %get3A_288 : vector<1x16xf32> to vector<16xf32>
      %get3A_290 = arith.constant 3 : i32
      %get3A_291 = arith.index_cast %get3A_290 : i32 to index
      %get3A_292 = arith.constant 80 : index
      %get3A_293 = tpu.vector_load %arg7[%get3A_291, %get3A_292] {strides = array<i32>} : memref<4x128xf32, #tpu.memory_space<vmem>>, vector<1x16xf32>,
      %get3A_294 = vector.shape_cast %get3A_293 : vector<1x16xf32> to vector<16xf32>
      %add3A_295 = arith.addf %get3A_279, %get3A_284 : vector<16xf32>
      %add3A_296 = arith.addf %get3A_289, %get3A_294 : vector<16xf32>
      %add3A_297 = arith.addf %add3A_295, %add3A_296 : vector<16xf32>
      %mul3A_298 = arith.mulf %add3A_297, %broadcast_in_dim3A_135 : vector<16xf32>
      %swap3A_299 = arith.constant 80 : index
      %swap3A_300 = tpu.vector_load %arg6[%swap3A_299] {strides = array<i32>} : memref<128xf32, #tpu.memory_space<vmem>>, vector<16xf32>,
      %swap3A_301 = vector.shape_cast %swap3A_300 : vector<16xf32> to vector<16xf32>
      %swap3A_302 = vector.shape_cast %mul3A_298 : vector<16xf32> to vector<16xf32>
      tpu.vector_store %arg6[%swap3A_299], %swap3A_302 {strides = array<i32>} : memref<128xf32, #tpu.memory_space<vmem>>, vector<16xf32>,
      %get3A_303 = arith.constant 0 : i32
      %get3A_304 = arith.index_cast %get3A_303 : i32 to index
      %get3A_305 = arith.constant 96 : index
      %get3A_306 = tpu.vector_load %arg7[%get3A_304, %get3A_305] {strides = array<i32>} : memref<4x128xf32, #tpu.memory_space<vmem>>, vector<1x16xf32>,
      %get3A_307 = vector.shape_cast %get3A_306 : vector<1x16xf32> to vector<16xf32>
      %get3A_308 = arith.constant 1 : i32
      %get3A_309 = arith.index_cast %get3A_308 : i32 to index
      %get3A_310 = arith.constant 96 : index
      %get3A_311 = tpu.vector_load %arg7[%get3A_309, %get3A_310] {strides = array<i32>} : memref<4x128xf32, #tpu.memory_space<vmem>>, vector<1x16xf32>,
      %get3A_312 = vector.shape_cast %get3A_311 : vector<1x16xf32> to vector<16xf32>
      %get3A_313 = arith.constant 2 : i32
      %get3A_314 = arith.index_cast %get3A_313 : i32 to index
      %get3A_315 = arith.constant 96 : index
      %get3A_316 = tpu.vector_load %arg7[%get3A_314, %get3A_315] {strides = array<i32>} : memref<4x128xf32, #tpu.memory_space<vmem>>, vector<1x16xf32>,
      %get3A_317 = vector.shape_cast %get3A_316 : vector<1x16xf32> to vector<16xf32>
      %get3A_318 = arith.constant 3 : i32
      %get3A_319 = arith.index_cast %get3A_318 : i32 to index
      %get3A_320 = arith.constant 96 : index
      %get3A_321 = tpu.vector_load %arg7[%get3A_319, %get3A_320] {strides = array<i32>} : memref<4x128xf32, #tpu.memory_space<vmem>>, vector<1x16xf32>,
      %get3A_322 = vector.shape_cast %get3A_321 : vector<1x16xf32> to vector<16xf32>
      %add3A_323 = arith.addf %get3A_307, %get3A_312 : vector<16xf32>
      %add3A_324 = arith.addf %get3A_317, %get3A_322 : vector<16xf32>
      %add3A_325 = arith.addf %add3A_323, %add3A_324 : vector<16xf32>
      %mul3A_326 = arith.mulf %add3A_325, %broadcast_in_dim3A_135 : vector<16xf32>
      %swap3A_327 = arith.constant 96 : index
      %swap3A_328 = tpu.vector_load %arg6[%swap3A_327] {strides = array<i32>} : memref<128xf32, #tpu.memory_space<vmem>>, vector<16xf32>,
      %swap3A_329 = vector.shape_cast %swap3A_328 : vector<16xf32> to vector<16xf32>
      %swap3A_330 = vector.shape_cast %mul3A_326 : vector<16xf32> to vector<16xf32>
      tpu.vector_store %arg6[%swap3A_327], %swap3A_330 {strides = array<i32>} : memref<128xf32, #tpu.memory_space<vmem>>, vector<16xf32>,
      %get3A_331 = arith.constant 0 : i32
      %get3A_332 = arith.index_cast %get3A_331 : i32 to index
      %get3A_333 = arith.constant 112 : index
      %get3A_334 = tpu.vector_load %arg7[%get3A_332, %get3A_333] {strides = array<i32>} : memref<4x128xf32, #tpu.memory_space<vmem>>, vector<1x16xf32>,
      %get3A_335 = vector.shape_cast %get3A_334 : vector<1x16xf32> to vector<16xf32>
      %get3A_336 = arith.constant 1 : i32
      %get3A_337 = arith.index_cast %get3A_336 : i32 to index
      %get3A_338 = arith.constant 112 : index
      %get3A_339 = tpu.vector_load %arg7[%get3A_337, %get3A_338] {strides = array<i32>} : memref<4x128xf32, #tpu.memory_space<vmem>>, vector<1x16xf32>,
      %get3A_340 = vector.shape_cast %get3A_339 : vector<1x16xf32> to vector<16xf32>
      %get3A_341 = arith.constant 2 : i32
      %get3A_342 = arith.index_cast %get3A_341 : i32 to index
      %get3A_343 = arith.constant 112 : index
      %get3A_344 = tpu.vector_load %arg7[%get3A_342, %get3A_343] {strides = array<i32>} : memref<4x128xf32, #tpu.memory_space<vmem>>, vector<1x16xf32>,
      %get3A_345 = vector.shape_cast %get3A_344 : vector<1x16xf32> to vector<16xf32>
      %get3A_346 = arith.constant 3 : i32
      %get3A_347 = arith.index_cast %get3A_346 : i32 to index
      %get3A_348 = arith.constant 112 : index
      %get3A_349 = tpu.vector_load %arg7[%get3A_347, %get3A_348] {strides = array<i32>} : memref<4x128xf32, #tpu.memory_space<vmem>>, vector<1x16xf32>,
      %get3A_350 = vector.shape_cast %get3A_349 : vector<1x16xf32> to vector<16xf32>
      %add3A_351 = arith.addf %get3A_335, %get3A_340 : vector<16xf32>
      %add3A_352 = arith.addf %get3A_345, %get3A_350 : vector<16xf32>
      %add3A_353 = arith.addf %add3A_351, %add3A_352 : vector<16xf32>
      %mul3A_354 = arith.mulf %add3A_353, %broadcast_in_dim3A_135 : vector<16xf32>
      %swap3A_355 = arith.constant 112 : index
      %swap3A_356 = tpu.vector_load %arg6[%swap3A_355] {strides = array<i32>} : memref<128xf32, #tpu.memory_space<vmem>>, vector<16xf32>,
      %swap3A_357 = vector.shape_cast %swap3A_356 : vector<16xf32> to vector<16xf32>
      %swap3A_358 = vector.shape_cast %mul3A_354 : vector<16xf32> to vector<16xf32>
      tpu.vector_store %arg6[%swap3A_355], %swap3A_358 {strides = array<i32>} : memref<128xf32, #tpu.memory_space<vmem>>, vector<16xf32>,
      %mul3A_359 = arith.constant 4 : i32
      %mul3A_360 = arith.muli %arg0, %mul3A_359 : i32
      %add3A_361 = arith.addi %mul3A_360, %arg1 : i32
      "tpu.region"() ({
        %run_scoped3A = tpu.sem_alloc : memref<!tpu.dma_semaphore, #tpu.memory_space<semaphore_mem>>
        %dma_start3A_362 = arith.constant 0 : i32
        %dma_start3A_363 = tpu.memref_slice %arg3[%add3A_361, %dma_start3A_362] : memref<8x128xf32, #tpu.memory_space<hbm>> -> memref<1x128xf32, #tpu.memory_space<hbm>>
        %dma_start3A_364 = tpu.memref_squeeze %dma_start3A_363 : memref<1x128xf32, #tpu.memory_space<hbm>> -> memref<128xf32, #tpu.memory_space<hbm>>
        %dma_start3A_365 = arith.constant 0 : i32
        %dma_start3A_366 = tpu.memref_slice %arg3[%add3A_361, %dma_start3A_365] : memref<8x128xf32, #tpu.memory_space<hbm>> -> memref<1x128xf32, #tpu.memory_space<hbm>>
        %dma_start3A_367 = tpu.memref_squeeze %dma_start3A_366 : memref<1x128xf32, #tpu.memory_space<hbm>> -> memref<128xf32, #tpu.memory_space<hbm>>
        tpu.enqueue_dma source(%arg6 : memref<128xf32, #tpu.memory_space<vmem>>) target(%dma_start3A_367 : memref<128xf32, #tpu.memory_space<hbm>>) target_semaphore(%run_scoped3A : memref<!tpu.dma_semaphore, #tpu.memory_space<semaphore_mem>>)
        %dma_wait3A_368 = arith.constant 0 : i32
        %dma_wait3A_369 = tpu.memref_slice %arg3[%add3A_361, %dma_wait3A_368] : memref<8x128xf32, #tpu.memory_space<hbm>> -> memref<1x128xf32, #tpu.memory_space<hbm>>
        %dma_wait3A_370 = tpu.memref_squeeze %dma_wait3A_369 : memref<1x128xf32, #tpu.memory_space<hbm>> -> memref<128xf32, #tpu.memory_space<hbm>>
        %dma_wait3A_371 = arith.constant 0 : i32
        %dma_wait3A_372 = tpu.memref_slice %arg3[%add3A_361, %dma_wait3A_371] : memref<8x128xf32, #tpu.memory_space<hbm>> -> memref<1x128xf32, #tpu.memory_space<hbm>>
        %dma_wait3A_373 = tpu.memref_squeeze %dma_wait3A_372 : memref<1x128xf32, #tpu.memory_space<hbm>> -> memref<128xf32, #tpu.memory_space<hbm>>
        tpu.wait_dma2 semaphore(%run_scoped3A : memref<!tpu.dma_semaphore, #tpu.memory_space<semaphore_mem>>) src(%arg6 : memref<128xf32, #tpu.memory_space<vmem>>) dst(%dma_wait3A_373 : memref<128xf32, #tpu.memory_space<hbm>>)
        tpu.yield
      }) : () -> ()
    } else {
    }
    return
  }
}

module attributes {stable_mosaic.version = 14 : i64} {
  func.func @_tc_body(%arg0: i32, %arg1: memref<1024x128xf32, #tpu.memory_space<vmem>>, %arg2: memref<1024x128xf32, #tpu.memory_space<vmem>>, %arg3: memref<1x1x128xf32, #tpu.memory_space<vmem>>) attributes {dimension_semantics = [#tpu.dimension_semantics<arbitrary>], iteration_bounds = array<i64: 8>, scalar_prefetch = 0 : i64, scratch_operands = 0 : i64, tpu.core_type = #tpu.core_type<tc>, window_params = [{transform_indices = @transform_0, window_bounds = array<i64: 1024, 128>}, {transform_indices = @transform_1, window_bounds = array<i64: 1024, 128>}, {transform_indices = @transform_2, window_bounds = array<i64: 1, 1, 128>}]} {
    %broadcast_in_dim3A = arith.constant 1.000000e+00 : f32
    %broadcast_in_dim3A_0 = vector.broadcast %broadcast_in_dim3A : f32 to vector<8x1024xf32>
    %get3A = arith.constant 0 : index
    %get3A_1 = arith.constant 0 : index
    %get3A_2 = vector.load %arg1[%get3A, %get3A_1] : memref<1024x128xf32, #tpu.memory_space<vmem>>, vector<1024x128xf32>
    %dot_general3A = arith.constant dense<0.000000e+00> : vector<8x128xf32>
    %dot_general3A_3 = tpu.matmul %broadcast_in_dim3A_0, %get3A_2, %dot_general3A {dimension_numbers = #tpu.dot_dimension_numbers<[1], [0], [0], [1], [0, 0, 1, 1], [], []>, precision = #tpu.contract_precision<fp32>, transpose_lhs_hint = false} : vector<8x1024xf32>, vector<1024x128xf32>, vector<8x128xf32> -> vector<8x128xf32>
    %get3A_4 = arith.constant 0 : index
    %get3A_5 = arith.constant 0 : index
    %get3A_6 = vector.load %arg2[%get3A_4, %get3A_5] : memref<1024x128xf32, #tpu.memory_space<vmem>>, vector<1024x128xf32>
    %dot_general3A_7 = arith.constant dense<0.000000e+00> : vector<8x128xf32>
    %dot_general3A_8 = tpu.matmul %broadcast_in_dim3A_0, %get3A_6, %dot_general3A_7 {dimension_numbers = #tpu.dot_dimension_numbers<[1], [0], [0], [1], [0, 0, 1, 1], [], []>, precision = #tpu.contract_precision<fp32>, transpose_lhs_hint = false} : vector<8x1024xf32>, vector<1024x128xf32>, vector<8x128xf32> -> vector<8x128xf32>
    %add3A = arith.addf %dot_general3A_3, %dot_general3A_8 : vector<8x128xf32>
    %slice3A = vector.extract_strided_slice %add3A {offsets = [0, 0], sizes = [1, 128], strides = [1, 1]} : vector<8x128xf32> to vector<1x128xf32>
    %squeeze3A = vector.shape_cast %slice3A : vector<1x128xf32> to vector<128xf32>
    %mul3A = arith.constant 4.8828125E-4 : f32
    %mul3A_9 = vector.broadcast %mul3A : f32 to vector<128xf32>
    %mul3A_10 = arith.mulf %squeeze3A, %mul3A_9 : vector<128xf32>
    %reshape3A = vector.shape_cast %mul3A_10 : vector<128xf32> to vector<1x1x128xf32>
    %swap3A = arith.constant 0 : index
    %swap3A_11 = arith.constant 0 : index
    %swap3A_12 = arith.constant 0 : index
    %swap3A_13 = vector.load %arg3[%swap3A, %swap3A_11, %swap3A_12] : memref<1x1x128xf32, #tpu.memory_space<vmem>>, vector<1x1x128xf32>
    tpu.vector_store %arg3[%swap3A, %swap3A_11, %swap3A_12], %reshape3A {strides = array<i32>} : memref<1x1x128xf32, #tpu.memory_space<vmem>>, vector<1x1x128xf32>,
    return
  }
  func.func @transform_0(%arg0: i32) -> (i32, i32) {
    %add3A = arith.constant 8 : i32
    %add3A_0 = arith.addi %arg0, %add3A : i32
    %mul3A = arith.constant 2 : i32
    %mul3A_1 = arith.muli %mul3A, %add3A_0 : i32
    %c0_i32 = arith.constant 0 : i32
    %c0_i32_2 = arith.constant 0 : i32
    return %mul3A_1, %c0_i32 : i32, i32
  }
  func.func @transform_1(%arg0: i32) -> (i32, i32) {
    %add3A = arith.constant 8 : i32
    %add3A_0 = arith.addi %arg0, %add3A : i32
    %mul3A = arith.constant 2 : i32
    %mul3A_1 = arith.muli %mul3A, %add3A_0 : i32
    %add3A_2 = arith.constant 1 : i32
    %add3A_3 = arith.addi %mul3A_1, %add3A_2 : i32
    %c0_i32 = arith.constant 0 : i32
    %c0_i32_4 = arith.constant 0 : i32
    return %add3A_3, %c0_i32 : i32, i32
  }
  func.func @transform_2(%arg0: i32) -> (i32, i32, i32) {
    %c0_i32 = arith.constant 0 : i32
    %c0_i32_0 = arith.constant 0 : i32
    %c0_i32_1 = arith.constant 0 : i32
    return %arg0, %c0_i32, %c0_i32_0 : i32, i32, i32
  }
}

</mosaic_0001>

<sc_bundles>
// kernel: kernel.4.cloned.1.call-start
scs
__scs_entry_jumppad:
0x0: {  	(pc) =	sbr.rel $0x88, $3  }
0x1: {  	(tag) =	ssettag $0x0;
	lr =	simm.s32 $0x1  }
0x2: {  	[smem:$0x3FA0] =	sst lr;
	_ =	strace $0xD0000000  }
0x3: {  	_ = 	snop  }
0x4: {  	_ = 	snop  }
0x5: {  	_ = 	snop  }
0x6: {  	_ = 	snop  }
0x7: {  	_ = 	snop  }
__scs_overlays_trampoline_lowered:
0x8: {  	[smem:$0x3FAF] =	sst s0  }
0x9: {  	[smem:$0x3FB0] =	sst s1  }
0xa: {  	[smem:$0x3FB1] =	sst s2  }
0xb: {  	[smem:$0x3FB2] =	sst s3  }
0xc: {  	[smem:$0x3FB3] =	sst s4  }
0xd: {  	[smem:$0x3FB4] =	sst s5  }
0xe: {  	[smem:$0x3FB5] =	sst s6  }
0xf: {  	[smem:$0x3FB6] =	sst s7  }
0x10: {  	[smem:$0x3FB7] =	sst s8  }
0x11: {  	[smem:$0x3FB8] =	sst s9;
	s0 =	simm.s32 @!p0 $0x0  }
0x12: {  	s1 =	sld [smem:$0x3F9E];
	s0 =	simm.s32 @p0 $0x1  }
0x13: {  	[smem:$0x3FB9] =	sst s0;
	s0 =	simm.s32 @!p1 $0x0  }
0x14: {  	s2 =	sld [smem:$0x3F9D];
	s0 =	simm.s32 @p1 $0x1  }
0x15: {  	[smem:$0x3FBA] =	sst s0;
	s0 =	simm.s32 @!p2 $0x0  }
0x16: {  	s3 =	sld [smem:$0x3FDB];
	s0 =	simm.s32 @p2 $0x1  }
0x17: {  	s4 =	simm.s32 $0x1BF5;
	[smem:$0x3FBC] =	sst s0  }
0x18: {  	s0 =	sld [smem:$0x3F9F];
	_ =	swait.ge [sflag:s4], $0x0  }
0x19: {  	s7 =	sld [smem:$0x3FA0]  }
0x1a: {  	s8 =	sadd.s32 $0xFFFFE003, lr  }
0x1b: {  	s9 =	sadd.s32 $0xFFFFFEF7, lr;
	s5 =	simm.s32 $0xFFFFFFFF;
	p2 =	slt.u32 s8, $0xFFFFF086  }
0x1c: {  	p1 =	slt.u32 s9, $0xF7A;
	s5 =	simm.s32 @!p2 $0x0  }
0x1d: {  	s5 =	simm.s32 @p1 $0x1;
	p0 =	seq.s32 s7, s2  }
0x1e: {  	s7 =	smul.u32 @!p0 $0xF7A, s2;
	p2 =	seq.s32 @!p0 s5, $0x0  }
0x1f: {  	s9 =	smul.u32 $0xF7A, s1;
	s8 =	simm.s32 @!p0 $0x1BF5;
	p2 =	por !p2, p0  }
0x20: {  	[sflag:s8] =	ssyncset.s32 @!p0 $0xFFFFF086;
	s6 =	sadd.s32 @!p0 s3, s7;
	s7 =	simm.s32 @!p0 $0x108  }
0x21: {  	s3 =	sadd.s32 s3, s9;
	s6 =	sadd.s32 @!p0 $0x88, s6;
	s7 =	simm.s32 @p2 $0x1082  }
0x22: {  	[simem:s7], [sflag:s8] =	dma.local @!p0 [hbm:s6], $0xF7A  }
0x23: {  	s9 =	sor.u32 $0xD0000000, s2;
	s6 =	simm.s32 $0x108;
	_ =	swait.ge @!p0 [sflag:s8], $0x0  }
0x24: {  	s3 =	sadd.s32 $0x88, s3;
	s6 =	simm.s32 @!p1 $0x1082;
	[sflag:s4] =	ssyncset.s32 $0xFFFFF086  }
0x25: {  	[simem:s6], [sflag:s4] =	dma.local [hbm:s3], $0xF7A  }
0x26: {  	[smem:$0x3FA0] =	sst s1;
	(tag) =	ssettag s2;
	_ =	strace s9  }
0x27: {  	s1 =	sld [smem:$0x3FB0]  }
0x28: {  	s2 =	sld [smem:$0x3FB1]  }
0x29: {  	s4 =	sld [smem:$0x3FB3]  }
0x2a: {  	p0 =	seq.s32 s5, $0x0;
	s5 =	sld [smem:$0x3FB4]  }
0x2b: {  	s6 =	sld [smem:$0x3FB5]  }
0x2c: {  	s7 =	sld [smem:$0x3FB6]  }
0x2d: {  	s3 =	simm.s32 $0x108;
	s8 =	sld [smem:$0x3FB7]  }
0x2e: {  	s3 =	simm.s32 @!p0 $0x1082;
	s9 =	sld [smem:$0x3FB8]  }
0x2f: {  	lr =	sadd.s32 s0, s3;
	s0 =	sld [smem:$0x3FAF]  }
0x30: {  	s3 =	sld [smem:$0x3FB2]  }
0x31: {  	[smem:$0x3FBB] =	sst s10  }
0x32: {  	s10 =	sld [smem:$0x3FB9];
	_ =	sdelay $0x3  }
0x33: {  	p0 =	seq.s32 s10, $0x1;
	s10 =	sld [smem:$0x3FBB];
	_ =	sdelay $0x3  }
0x34: {  	[smem:$0x3FBB] =	sst s10  }
0x35: {  	s10 =	sld [smem:$0x3FBA];
	_ =	sdelay $0x3  }
0x36: {  	p1 =	seq.s32 s10, $0x1;
	s10 =	sld [smem:$0x3FBB];
	_ =	sdelay $0x3  }
0x37: {  	[smem:$0x3FBB] =	sst s10  }
0x38: {  	s10 =	sld [smem:$0x3FBC]  }
0x39: {  	_ = 	snop;
	(pc) =	sbr.ind lr, $3  }
0x3a: {  	_ = 	snop  }
0x3b: {  	_ = 	snop  }
0x3c: {  	p2 =	seq.s32 s10, $0x1;
	s10 =	sld [smem:$0x3FBB]  }
0x3d: {  	_ =	shalt  }
0x3e: {  	_ =	shalt  }
0x3f: {  	_ =	shalt  }
0x40: {  	_ =	shalt  }
0x41: {  	_ =	shalt  }
0x42: {  	_ =	shalt  }
0x43: {  	_ =	shalt  }
0x44: {  	_ =	shalt  }
0x45: {  	_ =	shalt  }
0x46: {  	_ =	shalt  }
0x47: {  	_ =	shalt  }
0x48: {  	_ =	shalt  }
0x49: {  	_ =	shalt  }
0x4a: {  	_ =	shalt  }
0x4b: {  	_ =	shalt  }
0x4c: {  	_ =	shalt  }
0x4d: {  	_ =	shalt  }
0x4e: {  	_ =	shalt  }
0x4f: {  	_ =	shalt  }
0x50: {  	_ =	shalt  }
0x51: {  	_ =	shalt  }
0x52: {  	_ =	shalt  }
0x53: {  	_ =	shalt  }
0x54: {  	_ =	shalt  }
0x55: {  	_ =	shalt  }
0x56: {  	_ =	shalt  }
0x57: {  	_ =	shalt  }
0x58: {  	_ =	shalt  }
0x59: {  	_ =	shalt  }
0x5a: {  	_ =	shalt  }
0x5b: {  	_ =	shalt  }
0x5c: {  	_ =	shalt  }
0x5d: {  	_ =	shalt  }
0x5e: {  	_ =	shalt  }
0x5f: {  	_ =	shalt  }
0x60: {  	_ =	shalt  }
0x61: {  	_ =	shalt  }
0x62: {  	_ =	shalt  }
0x63: {  	_ =	shalt  }
0x64: {  	_ =	shalt  }
0x65: {  	_ =	shalt  }
0x66: {  	_ =	shalt  }
0x67: {  	_ =	shalt  }
0x68: {  	_ =	shalt  }
0x69: {  	_ =	shalt  }
0x6a: {  	_ =	shalt  }
0x6b: {  	_ =	shalt  }
0x6c: {  	_ =	shalt  }
0x6d: {  	_ =	shalt  }
0x6e: {  	_ =	shalt  }
0x6f: {  	_ =	shalt  }
0x70: {  	_ =	shalt  }
0x71: {  	_ =	shalt  }
0x72: {  	_ =	shalt  }
0x73: {  	_ =	shalt  }
0x74: {  	_ =	shalt  }
0x75: {  	_ =	shalt  }
0x76: {  	_ =	shalt  }
0x77: {  	_ =	shalt  }
0x78: {  	_ =	shalt  }
0x79: {  	_ =	shalt  }
0x7a: {  	_ =	shalt  }
0x7b: {  	_ =	shalt  }
0x7c: {  	_ =	shalt  }
0x7d: {  	_ =	shalt  }
0x7e: {  	_ =	shalt  }
0x7f: {  	_ =	shalt  }
0x80: {  	_ =	shalt  }
0x81: {  	_ =	shalt  }
0x82: {  	_ =	shalt  }
0x83: {  	_ =	shalt  }
0x84: {  	_ =	shalt  }
0x85: {  	_ =	shalt  }
0x86: {  	_ =	shalt  }
0x87: {  	_ =	shalt  }
.Lfunc_end0:
.L_simem_size_0:
called_computation_lowered:
.L_overlay_start_0:
0x88: {  	s2 =	sld [smem:$0x3FD9]  }
0x89: {  	s3 =	sld [smem:$0x3FFE];
	_ =	sdelay $0x1  }
0x8a: {  	s1 =	srdreg.scid  }
0x8b: {  	s0 =	sand.u32 $0x1, s1  }
0x8c: {  	s17 =	sshll.u32 s0, $0xA;
	s2 =	sadd.s32 s3, s2  }
0x8d: {  	s2 =	sadd.s32 s2, s17  }
0x8e: {  	[smem:$0x3FC7] =	sst s2  }
0x8f: {  	_ = 	snop  }
0x90: {  	s2 =	sld [smem:$0x3FC9];
	(tm) =	ssettm $0x1  }
0x91: {  	s18 =	sld [smem:$0x3FFB];
	_ =	sdelay $0x3  }
0x92: {  	_ =	strace s18  }
0x93: {  	s3 =	sld [smem:$0x3FFC];
	_ =	sdelay $0x3  }
0x94: {  	_ =	strace s3  }
0x95: {  	s3 =	sld [smem:$0x3FFD];
	_ =	sdelay $0x3  }
0x96: {  	_ =	strace s3  }
0x97: {  	_ =	strace $0x8FFFFFFF  }
0x98: {  	s19 =	sld [smem:$0x3FDB];
	_ =	sdelay $0x1  }
0x99: {  	s4 =	simm.s32 $_scs_section_size  }
0x9a: {  	s5 =	simm.s32 $_size__tile_overlayer_lowered;
	s6 =	simm.s32 $_tile_overlayer_lowered  }
0x9b: {  	s22 =	simm.s32 $0x1BFF;
	s21 =	sshll.u32 s6, $0x1;
	s3 =	sadd.s32 s4, s19  }
0x9c: {  	s7 =	simm.s32 $0x0;
	s20 =	sshll.u32 s5, $0x1;
	s5 =	sadd.s32 s21, s3  }
0x9d: {  	[timem:s7], [sflag:s22] =	dma.local [hbm:s5], s20  }
0x9e: {  	_ =	swait.ge [sflag:s22], s20  }
0x9f: {  	s4 =	ssub.s32 $0x0, s20;
	[sflag:s22] =	ssyncset.done $0x0  }
0xa0: {  	[sflag:s22] =	ssyncadd.s32 s4;
	_ =	sdelay $0x1  }
0xa1: {  	s23 =	simm.s32 $0x1B8B  }
0xa2: {  	_ =	swait.ge [sflag:s23], $0x1  }
0xa3: {  	[sflag:s23] =	ssyncset.done $0x0  }
0xa4: {  	s25 =	simm.s32 $0x1B8E;
	s24 =	sld [smem:$0x3FFE];
	[sflag:s23] =	ssyncadd.s32 $0xFFFFFFFF  }
0xa5: {  	s26 =	simm.s32 $execute0_lowered;
	[smem:$0x3FD2] =	sst s25  }
0xa6: {  	s5 =	sshll.u32 s26, $0x1;
	_ =	strace $0x80000046;
	[dreg:$0x1] =	wrdreg $0xFFFFFFFF  }
0xa7: {  	s28 =	simm.s32 $_size_execute0_lowered;
	s3 =	sadd.s32 s3, s5;
	[dreg:$0x0] =	wrdreg $0x0  }
0xa8: {  	s5 =	sshll.u32 s28, $0x1;
	[dreg:$0x2] =	wrdreg s3  }
0xa9: {  	[dreg:$0x3] =	wrdreg s5  }
0xaa: {  	[dreg:$0x4] =	wrdreg $0xC0  }
0xab: {  	_ =	task [dreg:s7], $0x5FFFF  }
0xac: {  	[dreg:$0x1] =	wrdreg $0xFFFFFFFF  }
0xad: {  	[dreg:$0x0] =	wrdreg $0x60  }
0xae: {  	[dreg:$0x2] =	wrdreg s2  }
0xaf: {  	[dreg:$0x3] =	wrdreg s24  }
0xb0: {  	[dreg:$0x4] =	wrdreg $0x82800  }
0xb1: {  	[dreg:$0x5] =	wrdreg $0x9  }
0xb2: {  	_ =	task.clear_ibuf [dreg:s7], $0x6FFFF;
	_ =	strace $0x90000046  }
0xb3: {  	s29 =	simm.s32 $0x9;
	_ =	strace $0x80000048  }
0xb4: {  	_ =	swait.ge [sflag:s29], $0x1  }
0xb5: {  	[sflag:s29] =	ssyncadd.s32 $0xFFFFFFFF  }
0xb6: {  	_ =	strace $0x90000048  }
0xb7: {  	_ =	sfence  }
0xb8: {  	s30 =	sld [smem:$0x0];
	_ =	sdelay $0x2  }
0xb9: {  	s31 =	sshll.u32 s1, $0xD;
	s1 =	sshrl.u32 s1, $0x2  }
0xba: {  	s3 =	sand.u32 $0x4000, s31;
	s1 =	sadd.s32 s1, s30  }
0xbb: {  	s0 =	sor.u32 s3, s0;
	s1 =	sshll.u32 s1, $0x11  }
0xbc: {  	s0 =	sor.u32 s1, s0  }
0xbd: {  	s0 =	sadd.s32 $0x8F2B, s0  }
0xbe: {  	[sflag:s0] =	ssyncadd.remote.s32 $0x1  }
0xbf: {  	_ =	sfence.sel $0xFFFF  }
0xc0: {  	[dreg:$0x0] =	wrdreg $0xFFFFFFFF;
	(pc) =	sbr.abs _section_cstart, $3  }
0xc1: {  	[dreg:$0x1] =	wrdreg $0xFFFFFFFF  }
0xc2: {  	_ =	task.clear_ibuf [dreg:s7], $0x2FFFF;
	_ =	strace $0x9FFFFFFF  }
0xc3: {  	(tm) =	ssettm $0x7FFFFFFF  }
tec
execute0_lowered:
.L_overlay_start_1:
0x0: {  	(tag) =	ssettag $0x1  }
0x1: {  	s3 =	rddreg [dreg:$0x0]  }
0x2: {  	s4 =	rddreg [dreg:$0x1]  }
0x3: {  	s8 =	rddreg [dreg:$0x2]  }
0x4: {  	s0 =	rddreg [dreg:$0x3];
	s5 =	srdreg.scid;
	s2 =	simm.s32 $0x0  }
0x5: {  	s1 =	stileid.u32;
	s12 =	simm.s32 $0x1;
	s13 =	simm.s32 $0x2  }
0x6: {  	s14 =	simm.s32 $0x8000;
	s15 =	simm.s32 $0x3;
	s16 =	simm.s32 $0x8080  }
0x7: {  	s17 =	simm.s32 $0x0;
	s5 =	sand.u32 $0x1, s5;
	[smem:$0x7FF] =	sst s2  }
0x8: {  	s7 =	sshrl.u32 s1, $0x2;
	s9 =	sshll.u32 s1, $0xD;
	s11 =	sshll.u32 s1, $0x9  }
0x9: {  	p0 =	sgt.u32 s1, $0x3;
	s6 =	sshll.u32 s5, $0x2;
	_ =	strace $0x80000047  }
0xa: {  	s9 =	sand.u32 $0x6000, s9;
	s5 =	ssub.s32 $0x2, s5;
	s31 =	sshrl.u32 s11, $0x2  }
0xb: {  	s7 =	sor.u32 s7, s6;
	s6 =	sadd.s32 s1, s6;
	s30 =	sshrl.u32 s5, $0x1  }
.Ltmp0:
0xc: {  	s7 =	sshll.u32 s7, $0xF;
	s6 =	sshll.u32 s6, $0x4;
	(pc) =	sbr.rel .LBB2_1-.Ltmp0, $4  }
0xd: {  	s10 =	ssub.s32 s5, s30;
	s7 =	sor.u32 s9, s7;
	s29 =	sadd.s32 s6, s4  }
0xe: {  	s10 =	smax.u32 s10, $0x1;
	s3 =	sadd.s32 s3, s7;
	s7 =	sadd.s32 s31, s8  }
0xf: {  	s8 =	sadd.s32 s11, s8;
	s9 =	sadd.s32 $0x600, s29;
	s11 =	simm.s32 $0x4000  }
0x10: {  	s4 =	sadd.s32 $0x800, s3;
	s5 =	sadd.s32 $0x1000, s3;
	s6 =	sadd.s32 $0x1800, s3  }
.LBB2_11:
0x11: {  	s17 =	sadd.s32 $0x1, s17  }
0x12: {  	p1 =	sne.s32 s17, s10  }
.Ltmp1:
0x13: {  	_ = 	snop;
	(pc) =	sbr.rel @!p1 .LBB2_12-.Ltmp1, $1  }
0x14: {  	_ =	sdelay $0x3  }
.LBB2_1:
0x15: {  	[tilespmem:s2], [sflag:$0x1] =	stream.linear.gather [hbm4b:s3+s2], $0x4000, $0x38;
	[tilespmem:$0x8300] =	vst v63  }
0x16: {  	_ = 	snop  }
0x17: {  	[tilespmem:s11], [sflag:$0x2] =	stream.linear.gather [hbm4b:s4+s2], $0x4000, $0x38;
	[tilespmem:$0x8300] =	vst v63  }
0x18: {  	_ =	swait.ge [sflag:s12], $0x4000  }
0x19: {  	[sflag:s12] =	ssyncset.done $0x0  }
0x1a: {  	s19 =	simm.s32 $0x0;
	[sflag:s12] =	ssyncadd.s32 $0xFFFFC000  }
0x1b: {  	v0 =	vld [tilespmem:s19+$0x70]  }
0x1c: {  	v1 =	vld [tilespmem:s19+$0xF0]  }
0x1d: {  	v2 =	vld [tilespmem:s19+$0x170]  }
0x1e: {  	v3 =	vld [tilespmem:s19+$0x1F0]  }
0x1f: {  	v4 =	vld [tilespmem:s19+$0x0]  }
0x20: {  	v5 =	vld [tilespmem:s19+$0x80]  }
0x21: {  	v6 =	vld [tilespmem:s19+$0x100]  }
0x22: {  	v7 =	vld [tilespmem:s19+$0x180]  }
0x23: {  	v8 =	vld [tilespmem:s19+$0x10]  }
0x24: {  	v9 =	vld [tilespmem:s19+$0x90]  }
0x25: {  	v10 =	vld [tilespmem:s19+$0x110]  }
0x26: {  	v11 =	vld [tilespmem:s19+$0x190]  }
0x27: {  	v12 =	vld [tilespmem:s19+$0x20]  }
0x28: {  	v13 =	vld [tilespmem:s19+$0xA0]  }
0x29: {  	v14 =	vld [tilespmem:s19+$0x120]  }
0x2a: {  	v15 =	vld [tilespmem:s19+$0x1A0]  }
0x2b: {  	v16 =	vld [tilespmem:s19+$0x30]  }
0x2c: {  	v17 =	vld [tilespmem:s19+$0xB0]  }
0x2d: {  	v18 =	vld [tilespmem:s19+$0x130]  }
0x2e: {  	v19 =	vld [tilespmem:s19+$0x1B0]  }
0x2f: {  	v20 =	vld [tilespmem:s19+$0x40]  }
0x30: {  	v63 =	vld [tilespmem:s19+$0xE0]  }
0x31: {  	v0 =	vadd.f32 v1, v0;
	v1 =	vadd.f32 v3, v2;
	v2 =	vld [tilespmem:s19+$0xC0]  }
0x32: {  	v3 =	vadd.f32 v5, v4;
	v4 =	vadd.f32 v7, v6;
	v7 =	vld [tilespmem:s19+$0x140]  }
0x33: {  	v5 =	vadd.f32 v9, v8;
	v6 =	vadd.f32 v11, v10;
	v8 =	vld [tilespmem:s19+$0x1C0]  }
0x34: {  	v9 =	vadd.f32 v13, v12;
	v10 =	vadd.f32 v15, v14;
	v11 =	vld [tilespmem:s19+$0x50]  }
0x35: {  	v13 =	vld [tilespmem:s19+$0xD0];
	v0 =	vadd.f32 v1, v0;
	v1 =	vadd.f32 v4, v3  }
0x36: {  	v14 =	vld [tilespmem:s19+$0x1D0];
	v3 =	vadd.f32 v6, v5;
	v6 =	vimm.f32 $0.0e+00;
	v9 =	vadd.f32 v10, v9  }
0x37: {  	v10 =	vld [tilespmem:s19+$0x150];
	v4 =	vadd.f32 v0, v6;
	v0 =	vadd.f32 v17, v16  }
0x38: {  	v15 =	vld [tilespmem:s19+$0x60];
	v5 =	vadd.f32 v1, v6;
	v1 =	vadd.f32 v19, v18  }
0x39: {  	v12 =	vadd.f32 v2, v20;
	v7 =	vadd.f32 v8, v7  }
0x3a: {  	v2 =	vadd.f32 v3, v6;
	v3 =	vadd.f32 v9, v6;
	v9 =	vld [tilespmem:s19+$0x160]  }
0x3b: {  	s18 =	simm.s32 $0x200;
	v0 =	vadd.f32 v1, v0;
	v1 =	vadd.f32 v7, v12;
	v12 =	vld [tilespmem:s19+$0x1E0]  }
0x3c: {  	v8 =	vld [tilespmem:s18+$0x70];
	v7 =	vadd.f32 v13, v11;
	v13 =	vadd.f32 v14, v10  }
0x3d: {  	v10 =	vld [tilespmem:s18+$0xF0];
	v14 =	vadd.f32 v63, v15;
	v0 =	vadd.f32 v0, v6  }
0x3e: {  	v11 =	vld [tilespmem:s18+$0x170];
	s19 =	simm.s32 $0x1000;
	v1 =	vadd.f32 v1, v6;
	v13 =	vadd.f32 v13, v7;
	v7 =	vimm.f32 $0.0e+00  }
.LBB2_2:
0x3f: {  	p1 =	sne.s32 s19, $0xF800;
	v15 =	vld [tilespmem:s18+$0x1F0]  }
0x40: {  	v16 =	vld [tilespmem:s18+$0x0];
	v6 =	vadd.f32 v13, v6;
	v9 =	vadd.f32 v12, v9  }
0x41: {  	v12 =	vld [tilespmem:s18+$0x80]  }
0x42: {  	v13 =	vld [tilespmem:s18+$0x100];
	v9 =	vadd.f32 v9, v14  }
0x43: {  	v14 =	vld [tilespmem:s18+$0x180]  }
0x44: {  	v8 =	vadd.f32 v10, v8;
	v17 =	vld [tilespmem:s18+$0x10];
	v10 =	vadd.f32 v15, v11  }
0x45: {  	v7 =	vadd.f32 v9, v7;
	v11 =	vld [tilespmem:s18+$0x90]  }
0x46: {  	v9 =	vadd.f32 v12, v16;
	v12 =	vld [tilespmem:s18+$0x110];
	v8 =	vadd.f32 v10, v8  }
0x47: {  	v10 =	vld [tilespmem:s18+$0x190]  }
0x48: {  	v13 =	vadd.f32 v14, v13;
	v14 =	vld [tilespmem:s18+$0x20];
	v4 =	vadd.f32 v8, v4  }
0x49: {  	v8 =	vld [tilespmem:s18+$0xA0]  }
0x4a: {  	v9 =	vadd.f32 v13, v9;
	v11 =	vadd.f32 v11, v17;
	v13 =	vld [tilespmem:s18+$0x120]  }
0x4b: {  	v15 =	vld [tilespmem:s18+$0x1A0]  }
0x4c: {  	v5 =	vadd.f32 v9, v5;
	v9 =	vadd.f32 v10, v12;
	v10 =	vld [tilespmem:s18+$0x30]  }
0x4d: {  	v12 =	vld [tilespmem:s18+$0xB0]  }
0x4e: {  	v9 =	vadd.f32 v9, v11;
	v8 =	vadd.f32 v8, v14;
	v11 =	vld [tilespmem:s18+$0x130]  }
0x4f: {  	v14 =	vld [tilespmem:s18+$0x1B0]  }
0x50: {  	v2 =	vadd.f32 v9, v2;
	v9 =	vadd.f32 v15, v13;
	v13 =	vld [tilespmem:s18+$0x40]  }
0x51: {  	v15 =	vld [tilespmem:s18+$0xC0]  }
0x52: {  	v8 =	vadd.f32 v9, v8;
	v9 =	vadd.f32 v12, v10;
	v10 =	vld [tilespmem:s18+$0x140]  }
0x53: {  	v12 =	vld [tilespmem:s18+$0x1C0]  }
0x54: {  	v3 =	vadd.f32 v8, v3;
	v8 =	vadd.f32 v14, v11;
	v11 =	vld [tilespmem:s18+$0x50]  }
0x55: {  	v14 =	vld [tilespmem:s18+$0xD0]  }
0x56: {  	v8 =	vadd.f32 v8, v9;
	v9 =	vadd.f32 v15, v13;
	v13 =	vld [tilespmem:s18+$0x150]  }
0x57: {  	v15 =	vld [tilespmem:s18+$0x1D0]  }
0x58: {  	v0 =	vadd.f32 v8, v0;
	v8 =	vadd.f32 v12, v10;
	v16 =	vld [tilespmem:s18+$0x60]  }
0x59: {  	v17 =	vld [tilespmem:s18+$0xE0]  }
.Ltmp2:
0x5a: {  	v10 =	vadd.f32 v8, v9;
	v14 =	vadd.f32 v14, v11;
	v9 =	vld [tilespmem:s18+$0x160];
	(pc) =	sbr.rel @p1 .LBB2_2-.Ltmp2, $4  }
0x5b: {  	v12 =	vld [tilespmem:s18+$0x1E0];
	s18 =	sshra.s32 s19, $0x2  }
0x5c: {  	v8 =	vld [tilespmem:s18+$0x70];
	v1 =	vadd.f32 v10, v1;
	v13 =	vadd.f32 v15, v13  }
0x5d: {  	v10 =	vld [tilespmem:s18+$0xF0]  }
0x5e: {  	s19 =	sadd.s32 $0x800, s19;
	v11 =	vld [tilespmem:s18+$0x170];
	v13 =	vadd.f32 v13, v14;
	v14 =	vadd.f32 v17, v16  }
0x5f: {  	v15 =	vld [tilespmem:s18+$0x1F0]  }
0x60: {  	v16 =	vld [tilespmem:s18+$0x0]  }
0x61: {  	v17 =	vld [tilespmem:s18+$0x80]  }
0x62: {  	v18 =	vld [tilespmem:s18+$0x100]  }
0x63: {  	v19 =	vld [tilespmem:s18+$0x180]  }
0x64: {  	v20 =	vld [tilespmem:s18+$0x10]  }
0x65: {  	v21 =	vld [tilespmem:s18+$0x90]  }
0x66: {  	v22 =	vld [tilespmem:s18+$0x110]  }
0x67: {  	v23 =	vld [tilespmem:s18+$0x190]  }
0x68: {  	v24 =	vld [tilespmem:s18+$0x20]  }
0x69: {  	v25 =	vld [tilespmem:s18+$0xA0]  }
0x6a: {  	v26 =	vld [tilespmem:s18+$0x120]  }
0x6b: {  	v27 =	vld [tilespmem:s18+$0x1A0]  }
0x6c: {  	v28 =	vld [tilespmem:s18+$0x30]  }
0x6d: {  	v29 =	vld [tilespmem:s18+$0xB0]  }
0x6e: {  	v30 =	vld [tilespmem:s18+$0x130]  }
0x6f: {  	v31 =	vld [tilespmem:s18+$0x1B0]  }
0x70: {  	v32 =	vld [tilespmem:s18+$0x40]  }
0x71: {  	v33 =	vld [tilespmem:s18+$0xC0]  }
0x72: {  	v34 =	vld [tilespmem:s18+$0x140]  }
0x73: {  	v35 =	vld [tilespmem:s18+$0x1C0]  }
0x74: {  	v36 =	vld [tilespmem:s18+$0x50]  }
0x75: {  	v37 =	vld [tilespmem:s18+$0xD0]  }
0x76: {  	v38 =	vld [tilespmem:s18+$0x150]  }
0x77: {  	v39 =	vld [tilespmem:s18+$0x1D0]  }
0x78: {  	v40 =	vld [tilespmem:s18+$0x60]  }
0x79: {  	v41 =	vld [tilespmem:s18+$0xE0]  }
0x7a: {  	v42 =	vld [tilespmem:s18+$0x160];
	s31 =	simm.s32 $0x0  }
0x7b: {  	v43 =	vld [tilespmem:s18+$0x1E0];
	[tilespmem:s31], [sflag:$0x1] =	stream.linear.gather [hbm4b:s5+s31], $0x4000, $0x38  }
0x7c: {  	_ =	swait.ge [sflag:s13], $0x4000  }
0x7d: {  	[sflag:s13] =	ssyncset.done $0x0  }
0x7e: {  	s19 =	simm.s32 $0x0;
	[sflag:s13] =	ssyncadd.s32 $0xFFFFC000  }
0x7f: {  	v44 =	vld [tilespmem:s19+$0x4070]  }
0x80: {  	v9 =	vadd.f32 v12, v9;
	v12 =	vld [tilespmem:s19+$0x40F0]  }
0x81: {  	v45 =	vld [tilespmem:s19+$0x4170]  }
0x82: {  	v9 =	vadd.f32 v9, v14;
	v14 =	vld [tilespmem:s19+$0x41F0]  }
0x83: {  	v8 =	vadd.f32 v10, v8;
	v10 =	vadd.f32 v15, v11;
	v11 =	vld [tilespmem:s19+$0x4000]  }
0x84: {  	v6 =	vadd.f32 v13, v6;
	v15 =	vadd.f32 v17, v16;
	v17 =	vld [tilespmem:s19+$0x4080]  }
0x85: {  	v54 =	vadd.f32 v19, v18;
	v7 =	vadd.f32 v9, v7;
	v9 =	vld [tilespmem:s19+$0x4100]  }
0x86: {  	v13 =	vld [tilespmem:s19+$0x4180];
	v55 =	vadd.f32 v23, v22;
	v57 =	vadd.f32 v25, v24  }
0x87: {  	v56 =	vld [tilespmem:s19+$0x4010];
	v58 =	vadd.f32 v27, v26;
	v61 =	vadd.f32 v29, v28  }
0x88: {  	v59 =	vld [tilespmem:s19+$0x4090];
	v62 =	vadd.f32 v31, v30;
	v32 =	vadd.f32 v33, v32  }
0x89: {  	v60 =	vld [tilespmem:s19+$0x4190];
	v33 =	vadd.f32 v35, v34;
	v47 =	vadd.f32 v37, v36  }
0x8a: {  	v63 =	vld [tilespmem:s19+$0x4020];
	v48 =	vadd.f32 v39, v38;
	v50 =	vadd.f32 v41, v40  }
0x8b: {  	v35 =	vld [tilespmem:s19+$0x4120];
	v8 =	vadd.f32 v10, v8;
	v10 =	vadd.f32 v54, v15  }
0x8c: {  	v46 =	vld [tilespmem:s19+$0x41A0];
	v51 =	vadd.f32 v43, v42;
	v15 =	vadd.f32 v21, v20  }
0x8d: {  	v34 =	vld [tilespmem:s19+$0x40A0];
	v4 =	vadd.f32 v8, v4;
	v5 =	vadd.f32 v10, v5  }
0x8e: {  	v53 =	vld [tilespmem:s19+$0x4130];
	v10 =	vadd.f32 v55, v15;
	v15 =	vadd.f32 v58, v57  }
0x8f: {  	v54 =	vld [tilespmem:s19+$0x41B0];
	v12 =	vadd.f32 v12, v44;
	v14 =	vadd.f32 v14, v45  }
0x90: {  	v49 =	vld [tilespmem:s19+$0x4030];
	v11 =	vadd.f32 v17, v11;
	v9 =	vadd.f32 v13, v9  }
0x91: {  	v8 =	vld [tilespmem:s19+$0x4110];
	v57 =	vadd.f32 v46, v35;
	v10 =	vadd.f32 v10, v2  }
0x92: {  	v52 =	vld [tilespmem:s19+$0x40B0];
	v15 =	vadd.f32 v15, v3;
	v2 =	vadd.f32 v62, v61  }
0x93: {  	v55 =	vld [tilespmem:s19+$0x4040];
	v3 =	vadd.f32 v33, v32;
	v9 =	vadd.f32 v9, v11  }
0x94: {  	v58 =	vld [tilespmem:s19+$0x40D0];
	v61 =	vadd.f32 v54, v53;
	v0 =	vadd.f32 v2, v0  }
0x95: {  	v13 =	vld [tilespmem:s19+$0x40C0];
	v1 =	vadd.f32 v3, v1;
	v2 =	vadd.f32 v48, v47  }
0x96: {  	v11 =	vld [tilespmem:s19+$0x41C0];
	v3 =	vadd.f32 v51, v50;
	v8 =	vadd.f32 v60, v8  }
0x97: {  	v5 =	vadd.f32 v9, v5;
	v2 =	vadd.f32 v2, v6;
	v6 =	vld [tilespmem:s19+$0x4140]  }
0x98: {  	v60 =	vld [tilespmem:s19+$0x41D0];
	v3 =	vadd.f32 v3, v7;
	v7 =	vadd.f32 v14, v12  }
0x99: {  	v12 =	vadd.f32 v59, v56;
	v14 =	vld [tilespmem:s19+$0x4050];
	v56 =	vadd.f32 v34, v63  }
0x9a: {  	v59 =	vld [tilespmem:s19+$0x4150];
	v13 =	vadd.f32 v13, v55;
	v4 =	vadd.f32 v7, v4  }
0x9b: {  	v62 =	vld [tilespmem:s19+$0x4060];
	v7 =	vadd.f32 v8, v12;
	v8 =	vadd.f32 v57, v56  }
0x9c: {  	v63 =	vld [tilespmem:s19+$0x40E0];
	v12 =	vadd.f32 v52, v49;
	v11 =	vadd.f32 v11, v6  }
0x9d: {  	v9 =	vld [tilespmem:s19+$0x4160];
	v6 =	vadd.f32 v7, v10;
	v7 =	vadd.f32 v8, v15  }
0x9e: {  	s18 =	simm.s32 $0x200;
	v10 =	vadd.f32 v61, v12;
	v12 =	vld [tilespmem:s19+$0x41E0];
	v11 =	vadd.f32 v11, v13  }
0x9f: {  	v8 =	vld [tilespmem:s18+$0x4070];
	v13 =	vadd.f32 v58, v14;
	v14 =	vadd.f32 v60, v59  }
0xa0: {  	v0 =	vadd.f32 v10, v0;
	v10 =	vld [tilespmem:s18+$0x40F0];
	v1 =	vadd.f32 v11, v1  }
0xa1: {  	s19 =	simm.s32 $0x1000;
	v11 =	vld [tilespmem:s18+$0x4170];
	v13 =	vadd.f32 v14, v13;
	v14 =	vadd.f32 v63, v62  }
.LBB2_4:
0xa2: {  	p1 =	sne.s32 s19, $0xF800;
	v15 =	vld [tilespmem:s18+$0x41F0]  }
0xa3: {  	v16 =	vld [tilespmem:s18+$0x4000];
	v2 =	vadd.f32 v13, v2;
	v9 =	vadd.f32 v12, v9  }
0xa4: {  	v12 =	vld [tilespmem:s18+$0x4080]  }
0xa5: {  	v13 =	vld [tilespmem:s18+$0x4100];
	v9 =	vadd.f32 v9, v14  }
0xa6: {  	v14 =	vld [tilespmem:s18+$0x4180]  }
0xa7: {  	v8 =	vadd.f32 v10, v8;
	v17 =	vld [tilespmem:s18+$0x4010];
	v10 =	vadd.f32 v15, v11  }
0xa8: {  	v3 =	vadd.f32 v9, v3;
	v11 =	vld [tilespmem:s18+$0x4090]  }
0xa9: {  	v9 =	vadd.f32 v12, v16;
	v12 =	vld [tilespmem:s18+$0x4110];
	v8 =	vadd.f32 v10, v8  }
0xaa: {  	v10 =	vld [tilespmem:s18+$0x4190]  }
0xab: {  	v13 =	vadd.f32 v14, v13;
	v14 =	vld [tilespmem:s18+$0x4020];
	v4 =	vadd.f32 v8, v4  }
0xac: {  	v8 =	vld [tilespmem:s18+$0x40A0]  }
0xad: {  	v9 =	vadd.f32 v13, v9;
	v11 =	vadd.f32 v11, v17;
	v13 =	vld [tilespmem:s18+$0x4120]  }
0xae: {  	v15 =	vld [tilespmem:s18+$0x41A0]  }
0xaf: {  	v5 =	vadd.f32 v9, v5;
	v9 =	vadd.f32 v10, v12;
	v10 =	vld [tilespmem:s18+$0x4030]  }
0xb0: {  	v12 =	vld [tilespmem:s18+$0x40B0]  }
0xb1: {  	v9 =	vadd.f32 v9, v11;
	v8 =	vadd.f32 v8, v14;
	v11 =	vld [tilespmem:s18+$0x4130]  }
0xb2: {  	v14 =	vld [tilespmem:s18+$0x41B0]  }
0xb3: {  	v6 =	vadd.f32 v9, v6;
	v9 =	vadd.f32 v15, v13;
	v13 =	vld [tilespmem:s18+$0x4040]  }
0xb4: {  	v15 =	vld [tilespmem:s18+$0x40C0]  }
0xb5: {  	v8 =	vadd.f32 v9, v8;
	v9 =	vadd.f32 v12, v10;
	v10 =	vld [tilespmem:s18+$0x4140]  }
0xb6: {  	v12 =	vld [tilespmem:s18+$0x41C0]  }
0xb7: {  	v7 =	vadd.f32 v8, v7;
	v8 =	vadd.f32 v14, v11;
	v11 =	vld [tilespmem:s18+$0x4050]  }
0xb8: {  	v14 =	vld [tilespmem:s18+$0x40D0]  }
0xb9: {  	v8 =	vadd.f32 v8, v9;
	v9 =	vadd.f32 v15, v13;
	v13 =	vld [tilespmem:s18+$0x4150]  }
0xba: {  	v15 =	vld [tilespmem:s18+$0x41D0]  }
0xbb: {  	v0 =	vadd.f32 v8, v0;
	v8 =	vadd.f32 v12, v10;
	v16 =	vld [tilespmem:s18+$0x4060]  }
0xbc: {  	v17 =	vld [tilespmem:s18+$0x40E0]  }
.Ltmp3:
0xbd: {  	v10 =	vadd.f32 v8, v9;
	v14 =	vadd.f32 v14, v11;
	v9 =	vld [tilespmem:s18+$0x4160];
	(pc) =	sbr.rel @p1 .LBB2_4-.Ltmp3, $4  }
0xbe: {  	v12 =	vld [tilespmem:s18+$0x41E0];
	s18 =	sshra.s32 s19, $0x2  }
0xbf: {  	v8 =	vld [tilespmem:s18+$0x4070];
	v1 =	vadd.f32 v10, v1;
	v13 =	vadd.f32 v15, v13  }
0xc0: {  	v10 =	vld [tilespmem:s18+$0x40F0]  }
0xc1: {  	s19 =	sadd.s32 $0x800, s19;
	v11 =	vld [tilespmem:s18+$0x4170];
	v13 =	vadd.f32 v13, v14;
	v14 =	vadd.f32 v17, v16  }
0xc2: {  	v15 =	vld [tilespmem:s18+$0x41F0]  }
0xc3: {  	v16 =	vld [tilespmem:s18+$0x4000]  }
0xc4: {  	v17 =	vld [tilespmem:s18+$0x4080]  }
0xc5: {  	v18 =	vld [tilespmem:s18+$0x4100]  }
0xc6: {  	v19 =	vld [tilespmem:s18+$0x4180]  }
0xc7: {  	v20 =	vld [tilespmem:s18+$0x4010]  }
0xc8: {  	v21 =	vld [tilespmem:s18+$0x4090]  }
0xc9: {  	v22 =	vld [tilespmem:s18+$0x4110]  }
0xca: {  	v23 =	vld [tilespmem:s18+$0x4190]  }
0xcb: {  	v24 =	vld [tilespmem:s18+$0x4020]  }
0xcc: {  	v25 =	vld [tilespmem:s18+$0x40A0]  }
0xcd: {  	v26 =	vld [tilespmem:s18+$0x4120]  }
0xce: {  	v27 =	vld [tilespmem:s18+$0x41A0]  }
0xcf: {  	v28 =	vld [tilespmem:s18+$0x4030]  }
0xd0: {  	v29 =	vld [tilespmem:s18+$0x40B0]  }
0xd1: {  	v30 =	vld [tilespmem:s18+$0x4130]  }
0xd2: {  	v31 =	vld [tilespmem:s18+$0x41B0]  }
0xd3: {  	v32 =	vld [tilespmem:s18+$0x4040]  }
0xd4: {  	v33 =	vld [tilespmem:s18+$0x40C0]  }
0xd5: {  	v34 =	vld [tilespmem:s18+$0x4140]  }
0xd6: {  	v35 =	vld [tilespmem:s18+$0x41C0]  }
0xd7: {  	v36 =	vld [tilespmem:s18+$0x4050]  }
0xd8: {  	v37 =	vld [tilespmem:s18+$0x40D0]  }
0xd9: {  	v38 =	vld [tilespmem:s18+$0x4150]  }
0xda: {  	v39 =	vld [tilespmem:s18+$0x41D0]  }
0xdb: {  	v40 =	vld [tilespmem:s18+$0x4060]  }
0xdc: {  	v41 =	vld [tilespmem:s18+$0x40E0]  }
0xdd: {  	v42 =	vld [tilespmem:s18+$0x4160];
	s31 =	simm.s32 $0x0  }
0xde: {  	v43 =	vld [tilespmem:s18+$0x41E0];
	[tilespmem:s11], [sflag:$0x2] =	stream.linear.gather [hbm4b:s6+s31], $0x4000, $0x38  }
0xdf: {  	_ =	swait.ge [sflag:s12], $0x4000  }
0xe0: {  	[sflag:s12] =	ssyncset.done $0x0  }
0xe1: {  	s19 =	simm.s32 $0x0;
	[sflag:s12] =	ssyncadd.s32 $0xFFFFC000  }
0xe2: {  	v44 =	vld [tilespmem:s19+$0x70]  }
0xe3: {  	v9 =	vadd.f32 v12, v9;
	v12 =	vld [tilespmem:s19+$0xF0]  }
0xe4: {  	v45 =	vld [tilespmem:s19+$0x170]  }
0xe5: {  	v9 =	vadd.f32 v9, v14;
	v14 =	vld [tilespmem:s19+$0x1F0]  }
0xe6: {  	v8 =	vadd.f32 v10, v8;
	v10 =	vadd.f32 v15, v11;
	v11 =	vld [tilespmem:s19+$0x0]  }
0xe7: {  	v2 =	vadd.f32 v13, v2;
	v15 =	vadd.f32 v17, v16;
	v17 =	vld [tilespmem:s19+$0x80]  }
0xe8: {  	v55 =	vadd.f32 v19, v18;
	v3 =	vadd.f32 v9, v3;
	v9 =	vld [tilespmem:s19+$0x100]  }
0xe9: {  	v13 =	vld [tilespmem:s19+$0x180];
	v56 =	vadd.f32 v23, v22;
	v57 =	vadd.f32 v25, v24  }
0xea: {  	v18 =	vld [tilespmem:s19+$0x10];
	v58 =	vadd.f32 v27, v26;
	v61 =	vadd.f32 v29, v28  }
0xeb: {  	v59 =	vld [tilespmem:s19+$0x90];
	v62 =	vadd.f32 v31, v30;
	v32 =	vadd.f32 v33, v32  }
0xec: {  	v60 =	vld [tilespmem:s19+$0x190];
	v33 =	vadd.f32 v35, v34;
	v47 =	vadd.f32 v37, v36  }
0xed: {  	v63 =	vld [tilespmem:s19+$0x20];
	v48 =	vadd.f32 v39, v38;
	v50 =	vadd.f32 v41, v40  }
0xee: {  	v34 =	vld [tilespmem:s19+$0xA0];
	v51 =	vadd.f32 v43, v42;
	v8 =	vadd.f32 v10, v8  }
0xef: {  	v46 =	vld [tilespmem:s19+$0x1A0];
	v10 =	vadd.f32 v55, v15;
	v15 =	vadd.f32 v21, v20  }
0xf0: {  	v49 =	vld [tilespmem:s19+$0x30];
	v35 =	vadd.f32 v33, v32;
	v53 =	vadd.f32 v48, v47  }
0xf1: {  	v52 =	vld [tilespmem:s19+$0xB0];
	v54 =	vadd.f32 v51, v50;
	v4 =	vadd.f32 v8, v4  }
0xf2: {  	v55 =	vld [tilespmem:s19+$0x1B0];
	v5 =	vadd.f32 v10, v5;
	v10 =	vadd.f32 v56, v15  }
0xf3: {  	v8 =	vld [tilespmem:s19+$0x110];
	v15 =	vadd.f32 v58, v57;
	v1 =	vadd.f32 v35, v1  }
0xf4: {  	v56 =	vld [tilespmem:s19+$0x40];
	v2 =	vadd.f32 v53, v2;
	v3 =	vadd.f32 v54, v3  }
0xf5: {  	v57 =	vld [tilespmem:s19+$0x140];
	v12 =	vadd.f32 v12, v44;
	v14 =	vadd.f32 v14, v45  }
0xf6: {  	v11 =	vadd.f32 v17, v11;
	v6 =	vadd.f32 v10, v6;
	v10 =	vld [tilespmem:s19+$0x120]  }
0xf7: {  	v58 =	vld [tilespmem:s19+$0x50];
	v9 =	vadd.f32 v13, v9;
	v7 =	vadd.f32 v15, v7  }
0xf8: {  	v13 =	vld [tilespmem:s19+$0xC0];
	v15 =	vadd.f32 v62, v61;
	v12 =	vadd.f32 v14, v12  }
0xf9: {  	v9 =	vadd.f32 v9, v11;
	v11 =	vld [tilespmem:s19+$0x1C0];
	v14 =	vadd.f32 v59, v18  }
0xfa: {  	v59 =	vadd.f32 v34, v63;
	v0 =	vadd.f32 v15, v0;
	v15 =	vld [tilespmem:s19+$0x130]  }
0xfb: {  	v61 =	vld [tilespmem:s19+$0x150];
	v8 =	vadd.f32 v60, v8;
	v10 =	vadd.f32 v46, v10  }
0xfc: {  	v60 =	vld [tilespmem:s19+$0xD0];
	v4 =	vadd.f32 v12, v4;
	v5 =	vadd.f32 v9, v5  }
0xfd: {  	v12 =	vadd.f32 v52, v49;
	v9 =	vadd.f32 v10, v59;
	v10 =	vld [tilespmem:s19+$0x1D0]  }
0xfe: {  	v62 =	vld [tilespmem:s19+$0xE0];
	v13 =	vadd.f32 v13, v56;
	v8 =	vadd.f32 v8, v14  }
0xff: {  	v11 =	vadd.f32 v11, v57;
	v14 =	vadd.f32 v55, v15;
	v15 =	vld [tilespmem:s19+$0x60]  }
0x100: {  	v6 =	vadd.f32 v8, v6;
	v7 =	vadd.f32 v9, v7;
	v9 =	vld [tilespmem:s19+$0x160]  }
0x101: {  	s18 =	simm.s32 $0x200;
	v11 =	vadd.f32 v11, v13;
	v14 =	vadd.f32 v14, v12;
	v12 =	vld [tilespmem:s19+$0x1E0]  }
0x102: {  	v8 =	vld [tilespmem:s18+$0x70];
	v13 =	vadd.f32 v60, v58;
	v63 =	vadd.f32 v10, v61  }
0x103: {  	v1 =	vadd.f32 v11, v1;
	v11 =	vld [tilespmem:s18+$0x170];
	v0 =	vadd.f32 v14, v0  }
0x104: {  	s19 =	simm.s32 $0x1000;
	v10 =	vld [tilespmem:s18+$0xF0];
	v14 =	vadd.f32 v62, v15;
	v13 =	vadd.f32 v63, v13  }
.LBB2_6:
0x105: {  	p1 =	sne.s32 s19, $0xF800;
	v15 =	vld [tilespmem:s18+$0x1F0]  }
0x106: {  	v16 =	vld [tilespmem:s18+$0x0];
	v2 =	vadd.f32 v13, v2;
	v9 =	vadd.f32 v12, v9  }
0x107: {  	v12 =	vld [tilespmem:s18+$0x80]  }
0x108: {  	v13 =	vld [tilespmem:s18+$0x100];
	v9 =	vadd.f32 v9, v14  }
0x109: {  	v14 =	vld [tilespmem:s18+$0x180]  }
0x10a: {  	v8 =	vadd.f32 v10, v8;
	v17 =	vld [tilespmem:s18+$0x10];
	v10 =	vadd.f32 v15, v11  }
0x10b: {  	v3 =	vadd.f32 v9, v3;
	v11 =	vld [tilespmem:s18+$0x90]  }
0x10c: {  	v9 =	vadd.f32 v12, v16;
	v12 =	vld [tilespmem:s18+$0x110];
	v8 =	vadd.f32 v10, v8  }
0x10d: {  	v10 =	vld [tilespmem:s18+$0x190]  }
0x10e: {  	v13 =	vadd.f32 v14, v13;
	v14 =	vld [tilespmem:s18+$0x20];
	v4 =	vadd.f32 v8, v4  }
0x10f: {  	v8 =	vld [tilespmem:s18+$0xA0]  }
0x110: {  	v9 =	vadd.f32 v13, v9;
	v11 =	vadd.f32 v11, v17;
	v13 =	vld [tilespmem:s18+$0x120]  }
0x111: {  	v15 =	vld [tilespmem:s18+$0x1A0]  }
0x112: {  	v5 =	vadd.f32 v9, v5;
	v9 =	vadd.f32 v10, v12;
	v10 =	vld [tilespmem:s18+$0x30]  }
0x113: {  	v12 =	vld [tilespmem:s18+$0xB0]  }
0x114: {  	v9 =	vadd.f32 v9, v11;
	v8 =	vadd.f32 v8, v14;
	v11 =	vld [tilespmem:s18+$0x130]  }
0x115: {  	v14 =	vld [tilespmem:s18+$0x1B0]  }
0x116: {  	v6 =	vadd.f32 v9, v6;
	v9 =	vadd.f32 v15, v13;
	v13 =	vld [tilespmem:s18+$0x40]  }
0x117: {  	v15 =	vld [tilespmem:s18+$0xC0]  }
0x118: {  	v8 =	vadd.f32 v9, v8;
	v9 =	vadd.f32 v12, v10;
	v10 =	vld [tilespmem:s18+$0x140]  }
0x119: {  	v12 =	vld [tilespmem:s18+$0x1C0]  }
0x11a: {  	v7 =	vadd.f32 v8, v7;
	v8 =	vadd.f32 v14, v11;
	v11 =	vld [tilespmem:s18+$0x50]  }
0x11b: {  	v14 =	vld [tilespmem:s18+$0xD0]  }
0x11c: {  	v8 =	vadd.f32 v8, v9;
	v9 =	vadd.f32 v15, v13;
	v13 =	vld [tilespmem:s18+$0x150]  }
0x11d: {  	v15 =	vld [tilespmem:s18+$0x1D0]  }
0x11e: {  	v0 =	vadd.f32 v8, v0;
	v8 =	vadd.f32 v12, v10;
	v16 =	vld [tilespmem:s18+$0x60]  }
0x11f: {  	v17 =	vld [tilespmem:s18+$0xE0]  }
.Ltmp4:
0x120: {  	v10 =	vadd.f32 v8, v9;
	v14 =	vadd.f32 v14, v11;
	v9 =	vld [tilespmem:s18+$0x160];
	(pc) =	sbr.rel @p1 .LBB2_6-.Ltmp4, $4  }
0x121: {  	v12 =	vld [tilespmem:s18+$0x1E0];
	s18 =	sshra.s32 s19, $0x2  }
0x122: {  	v8 =	vld [tilespmem:s18+$0x70];
	v1 =	vadd.f32 v10, v1;
	v13 =	vadd.f32 v15, v13  }
0x123: {  	v10 =	vld [tilespmem:s18+$0xF0]  }
0x124: {  	s19 =	sadd.s32 $0x800, s19;
	v11 =	vld [tilespmem:s18+$0x170];
	v13 =	vadd.f32 v13, v14;
	v14 =	vadd.f32 v17, v16  }
0x125: {  	v15 =	vld [tilespmem:s18+$0x1F0]  }
0x126: {  	v16 =	vld [tilespmem:s18+$0x0]  }
0x127: {  	v17 =	vld [tilespmem:s18+$0x80]  }
0x128: {  	v18 =	vld [tilespmem:s18+$0x100]  }
0x129: {  	v19 =	vld [tilespmem:s18+$0x180]  }
0x12a: {  	v20 =	vld [tilespmem:s18+$0x10]  }
0x12b: {  	v21 =	vld [tilespmem:s18+$0x90]  }
0x12c: {  	v22 =	vld [tilespmem:s18+$0x110]  }
0x12d: {  	v23 =	vld [tilespmem:s18+$0x190]  }
0x12e: {  	v24 =	vld [tilespmem:s18+$0x20]  }
0x12f: {  	v25 =	vld [tilespmem:s18+$0xA0]  }
0x130: {  	v26 =	vld [tilespmem:s18+$0x120]  }
0x131: {  	v27 =	vld [tilespmem:s18+$0x1A0]  }
0x132: {  	v28 =	vld [tilespmem:s18+$0x30]  }
0x133: {  	v29 =	vld [tilespmem:s18+$0xB0]  }
0x134: {  	v30 =	vld [tilespmem:s18+$0x130]  }
0x135: {  	v31 =	vld [tilespmem:s18+$0x1B0]  }
0x136: {  	v32 =	vld [tilespmem:s18+$0x40]  }
0x137: {  	v33 =	vld [tilespmem:s18+$0xC0]  }
0x138: {  	v34 =	vld [tilespmem:s18+$0x140]  }
0x139: {  	v35 =	vld [tilespmem:s18+$0x1C0]  }
0x13a: {  	v36 =	vld [tilespmem:s18+$0x50]  }
0x13b: {  	v37 =	vld [tilespmem:s18+$0xD0]  }
0x13c: {  	v38 =	vld [tilespmem:s18+$0x150]  }
0x13d: {  	v39 =	vld [tilespmem:s18+$0x1D0]  }
0x13e: {  	v40 =	vld [tilespmem:s18+$0x60]  }
0x13f: {  	v41 =	vld [tilespmem:s18+$0xE0]  }
0x140: {  	v42 =	vld [tilespmem:s18+$0x160]  }
0x141: {  	v43 =	vld [tilespmem:s18+$0x1E0];
	_ =	swait.ge [sflag:s13], $0x4000  }
0x142: {  	[sflag:s13] =	ssyncset.done $0x0  }
0x143: {  	s19 =	simm.s32 $0x0;
	[sflag:s13] =	ssyncadd.s32 $0xFFFFC000  }
0x144: {  	v44 =	vld [tilespmem:s19+$0x4070]  }
0x145: {  	v9 =	vadd.f32 v12, v9;
	v12 =	vld [tilespmem:s19+$0x40F0]  }
0x146: {  	v45 =	vld [tilespmem:s19+$0x4170]  }
0x147: {  	v9 =	vadd.f32 v9, v14;
	v14 =	vld [tilespmem:s19+$0x41F0]  }
0x148: {  	v2 =	vadd.f32 v13, v2;
	v8 =	vadd.f32 v10, v8;
	v13 =	vld [tilespmem:s19+$0x4180]  }
0x149: {  	v63 =	vld [tilespmem:s19+$0x4020];
	v10 =	vadd.f32 v15, v11;
	v15 =	vadd.f32 v17, v16  }
0x14a: {  	v48 =	vld [tilespmem:s19+$0x40A0];
	v57 =	vadd.f32 v19, v18;
	v3 =	vadd.f32 v9, v3  }
0x14b: {  	v50 =	vld [tilespmem:s19+$0x41A0];
	v58 =	vadd.f32 v23, v22;
	v59 =	vadd.f32 v25, v24  }
0x14c: {  	v53 =	vld [tilespmem:s19+$0x4030];
	v60 =	vadd.f32 v27, v26;
	v61 =	vadd.f32 v29, v28  }
0x14d: {  	v56 =	vld [tilespmem:s19+$0x40B0];
	v62 =	vadd.f32 v31, v30;
	v46 =	vadd.f32 v33, v32  }
0x14e: {  	v11 =	vld [tilespmem:s19+$0x4000];
	v47 =	vadd.f32 v35, v34;
	v51 =	vadd.f32 v37, v36  }
0x14f: {  	v17 =	vld [tilespmem:s19+$0x4080];
	v52 =	vadd.f32 v39, v38;
	v54 =	vadd.f32 v41, v40  }
0x150: {  	v9 =	vld [tilespmem:s19+$0x4100];
	v55 =	vadd.f32 v43, v42;
	v8 =	vadd.f32 v10, v8  }
0x151: {  	v18 =	vld [tilespmem:s19+$0x4010];
	v10 =	vadd.f32 v57, v15;
	v15 =	vadd.f32 v21, v20  }
0x152: {  	v16 =	vld [tilespmem:s19+$0x4190];
	v49 =	vadd.f32 v47, v46;
	v12 =	vadd.f32 v12, v44  }
0x153: {  	v21 =	vld [tilespmem:s19+$0x4090];
	v14 =	vadd.f32 v14, v45;
	v4 =	vadd.f32 v8, v4  }
0x154: {  	v5 =	vadd.f32 v10, v5;
	v8 =	vld [tilespmem:s19+$0x4110];
	v10 =	vadd.f32 v58, v15  }
0x155: {  	v15 =	vadd.f32 v60, v59;
	v19 =	vadd.f32 v49, v1;
	v58 =	vld [tilespmem:s19+$0x4130]  }
0x156: {  	v1 =	vadd.f32 v55, v54;
	v59 =	vld [tilespmem:s19+$0x41B0];
	v6 =	vadd.f32 v10, v6  }
0x157: {  	v60 =	vld [tilespmem:s19+$0x4040];
	v10 =	vadd.f32 v15, v7;
	v7 =	vadd.f32 v62, v61  }
0x158: {  	v11 =	vadd.f32 v17, v11;
	v9 =	vadd.f32 v13, v9;
	v13 =	vld [tilespmem:s19+$0x40C0]  }
0x159: {  	v15 =	vld [tilespmem:s19+$0x4120];
	v57 =	vadd.f32 v7, v0;
	v0 =	vadd.f32 v52, v51  }
0x15a: {  	v1 =	vadd.f32 v1, v3;
	v3 =	vld [tilespmem:s19+$0x4140];
	v8 =	vadd.f32 v16, v8  }
0x15b: {  	v61 =	vld [tilespmem:s19+$0x40D0];
	v7 =	vadd.f32 v0, v2;
	v0 =	vadd.f32 v14, v12  }
0x15c: {  	v2 =	vadd.f32 v9, v11;
	v9 =	vld [tilespmem:s19+$0x41C0];
	v11 =	vadd.f32 v21, v18  }
0x15d: {  	v62 =	vld [tilespmem:s19+$0x4150];
	v12 =	vadd.f32 v48, v63;
	v13 =	vadd.f32 v13, v60  }
0x15e: {  	v14 =	vld [tilespmem:s19+$0x4050];
	v15 =	vadd.f32 v50, v15;
	v0 =	vadd.f32 v0, v4  }
0x15f: {  	v2 =	vadd.f32 v2, v5;
	v4 =	vadd.f32 v8, v11;
	v11 =	vld [tilespmem:s19+$0x41D0]  }
0x160: {  	v63 =	vld [tilespmem:s19+$0x40E0];
	v8 =	vadd.f32 v56, v53;
	v5 =	vadd.f32 v15, v12  }
0x161: {  	v12 =	vadd.f32 v59, v58;
	v15 =	vld [tilespmem:s19+$0x4060];
	v3 =	vadd.f32 v9, v3  }
0x162: {  	v4 =	vadd.f32 v4, v6;
	v5 =	vadd.f32 v5, v10;
	v9 =	vld [tilespmem:s19+$0x4160]  }
0x163: {  	s18 =	simm.s32 $0x200;
	v6 =	vadd.f32 v12, v8;
	v12 =	vld [tilespmem:s19+$0x41E0];
	v3 =	vadd.f32 v3, v13  }
0x164: {  	v8 =	vld [tilespmem:s18+$0x4070];
	v13 =	vadd.f32 v61, v14;
	v14 =	vadd.f32 v11, v62  }
0x165: {  	v10 =	vld [tilespmem:s18+$0x40F0];
	v6 =	vadd.f32 v6, v57;
	v3 =	vadd.f32 v3, v19  }
0x166: {  	s19 =	simm.s32 $0x1000;
	v11 =	vld [tilespmem:s18+$0x4170];
	v14 =	vadd.f32 v14, v13;
	v13 =	vadd.f32 v63, v15  }
.LBB2_8:
0x167: {  	p1 =	sne.s32 s19, $0xF800;
	v15 =	vld [tilespmem:s18+$0x41F0]  }
0x168: {  	v16 =	vld [tilespmem:s18+$0x4000];
	v7 =	vadd.f32 v14, v7;
	v9 =	vadd.f32 v12, v9  }
0x169: {  	v12 =	vld [tilespmem:s18+$0x4080]  }
0x16a: {  	v14 =	vld [tilespmem:s18+$0x4100];
	v9 =	vadd.f32 v9, v13  }
0x16b: {  	v13 =	vld [tilespmem:s18+$0x4180]  }
0x16c: {  	v8 =	vadd.f32 v10, v8;
	v17 =	vld [tilespmem:s18+$0x4010];
	v10 =	vadd.f32 v15, v11  }
0x16d: {  	v1 =	vadd.f32 v9, v1;
	v11 =	vld [tilespmem:s18+$0x4090]  }
0x16e: {  	v9 =	vadd.f32 v12, v16;
	v12 =	vld [tilespmem:s18+$0x4110];
	v8 =	vadd.f32 v10, v8  }
0x16f: {  	v10 =	vld [tilespmem:s18+$0x4190]  }
0x170: {  	v13 =	vadd.f32 v13, v14;
	v14 =	vld [tilespmem:s18+$0x4020];
	v0 =	vadd.f32 v8, v0  }
0x171: {  	v8 =	vld [tilespmem:s18+$0x40A0]  }
0x172: {  	v9 =	vadd.f32 v13, v9;
	v11 =	vadd.f32 v11, v17;
	v13 =	vld [tilespmem:s18+$0x4120]  }
0x173: {  	v15 =	vld [tilespmem:s18+$0x41A0]  }
0x174: {  	v2 =	vadd.f32 v9, v2;
	v9 =	vadd.f32 v10, v12;
	v10 =	vld [tilespmem:s18+$0x4030]  }
0x175: {  	v12 =	vld [tilespmem:s18+$0x40B0]  }
0x176: {  	v9 =	vadd.f32 v9, v11;
	v8 =	vadd.f32 v8, v14;
	v11 =	vld [tilespmem:s18+$0x4130]  }
0x177: {  	v14 =	vld [tilespmem:s18+$0x41B0]  }
0x178: {  	v4 =	vadd.f32 v9, v4;
	v9 =	vadd.f32 v15, v13;
	v13 =	vld [tilespmem:s18+$0x4040]  }
0x179: {  	v15 =	vld [tilespmem:s18+$0x40C0]  }
0x17a: {  	v8 =	vadd.f32 v9, v8;
	v9 =	vadd.f32 v12, v10;
	v10 =	vld [tilespmem:s18+$0x4140]  }
0x17b: {  	v12 =	vld [tilespmem:s18+$0x41C0]  }
0x17c: {  	v5 =	vadd.f32 v8, v5;
	v8 =	vadd.f32 v14, v11;
	v11 =	vld [tilespmem:s18+$0x4050]  }
0x17d: {  	v14 =	vld [tilespmem:s18+$0x40D0]  }
0x17e: {  	v8 =	vadd.f32 v8, v9;
	v9 =	vadd.f32 v15, v13;
	v13 =	vld [tilespmem:s18+$0x4150]  }
0x17f: {  	v15 =	vld [tilespmem:s18+$0x41D0]  }
0x180: {  	v6 =	vadd.f32 v8, v6;
	v8 =	vadd.f32 v12, v10;
	v16 =	vld [tilespmem:s18+$0x4060]  }
0x181: {  	v17 =	vld [tilespmem:s18+$0x40E0]  }
.Ltmp5:
0x182: {  	v10 =	vadd.f32 v8, v9;
	v14 =	vadd.f32 v14, v11;
	v9 =	vld [tilespmem:s18+$0x4160];
	(pc) =	sbr.rel @p1 .LBB2_8-.Ltmp5, $4  }
0x183: {  	v12 =	vld [tilespmem:s18+$0x41E0];
	s18 =	sshra.s32 s19, $0x2  }
0x184: {  	v8 =	vld [tilespmem:s18+$0x4070];
	v3 =	vadd.f32 v10, v3;
	v13 =	vadd.f32 v15, v13  }
0x185: {  	v10 =	vld [tilespmem:s18+$0x40F0]  }
0x186: {  	s19 =	sadd.s32 $0x800, s19;
	v11 =	vld [tilespmem:s18+$0x4170];
	v14 =	vadd.f32 v13, v14;
	v13 =	vadd.f32 v17, v16  }
0x187: {  	v15 =	vld [tilespmem:s18+$0x41F0]  }
0x188: {  	v16 =	vld [tilespmem:s18+$0x4000]  }
0x189: {  	v17 =	vld [tilespmem:s18+$0x4080]  }
0x18a: {  	v18 =	vld [tilespmem:s18+$0x4100]  }
0x18b: {  	v19 =	vld [tilespmem:s18+$0x4180]  }
0x18c: {  	v20 =	vld [tilespmem:s18+$0x4010]  }
0x18d: {  	v21 =	vld [tilespmem:s18+$0x4090]  }
0x18e: {  	v22 =	vld [tilespmem:s18+$0x4110]  }
0x18f: {  	v23 =	vld [tilespmem:s18+$0x4190]  }
0x190: {  	v24 =	vld [tilespmem:s18+$0x4020]  }
0x191: {  	v25 =	vld [tilespmem:s18+$0x40A0]  }
0x192: {  	v26 =	vld [tilespmem:s18+$0x4120]  }
0x193: {  	v27 =	vld [tilespmem:s18+$0x41A0]  }
0x194: {  	v28 =	vld [tilespmem:s18+$0x4030]  }
0x195: {  	v29 =	vld [tilespmem:s18+$0x40B0]  }
0x196: {  	v30 =	vld [tilespmem:s18+$0x4130]  }
0x197: {  	v31 =	vld [tilespmem:s18+$0x41B0]  }
0x198: {  	v32 =	vld [tilespmem:s18+$0x4040]  }
0x199: {  	v33 =	vld [tilespmem:s18+$0x40C0]  }
0x19a: {  	v34 =	vld [tilespmem:s18+$0x4140]  }
0x19b: {  	v37 =	vld [tilespmem:s18+$0x41C0]  }
0x19c: {  	v40 =	vld [tilespmem:s18+$0x4050]  }
0x19d: {  	v41 =	vld [tilespmem:s18+$0x40D0];
	v9 =	vadd.f32 v12, v9  }
0x19e: {  	v43 =	vld [tilespmem:s18+$0x4150];
	v7 =	vadd.f32 v14, v7  }
0x19f: {  	v46 =	vld [tilespmem:s18+$0x41D0];
	v9 =	vadd.f32 v9, v13;
	v8 =	vadd.f32 v10, v8  }
0x1a0: {  	v49 =	vld [tilespmem:s18+$0x4060];
	v38 =	vadd.f32 v17, v16;
	v39 =	vadd.f32 v19, v18  }
0x1a1: {  	v50 =	vld [tilespmem:s18+$0x40E0];
	v11 =	vadd.f32 v15, v11;
	v44 =	vadd.f32 v21, v20  }
0x1a2: {  	v53 =	vld [tilespmem:s18+$0x4160];
	v45 =	vadd.f32 v23, v22;
	v47 =	vadd.f32 v25, v24  }
0x1a3: {  	v56 =	vld [tilespmem:s18+$0x41E0];
	v48 =	vadd.f32 v27, v26;
	v1 =	vadd.f32 v9, v1  }
0x1a4: {  	v54 =	vadd.f32 v29, v28;
	v55 =	vadd.f32 v31, v30  }
0x1a5: {  	v57 =	vadd.f32 v33, v32;
	v12 =	vadd.f32 v37, v34  }
0x1a6: {  	v10 =	vadd.f32 v41, v40;
	v14 =	vadd.f32 v46, v43  }
0x1a7: {  	v9 =	vadd.f32 v50, v49;
	v42 =	vadd.f32 v39, v38  }
0x1a8: {  	v59 =	vadd.f32 v56, v53;
	v51 =	vadd.f32 v45, v44  }
0x1a9: {  	v52 =	vadd.f32 v48, v47;
	v2 =	vadd.f32 v42, v2  }
0x1aa: {  	v58 =	vadd.f32 v55, v54;
	v4 =	vadd.f32 v51, v4  }
0x1ab: {  	v12 =	vadd.f32 v12, v57;
	v5 =	vadd.f32 v52, v5;
	[tilespmem:$0x8000] =	vst v2  }
0x1ac: {  	v61 =	vadd.f32 v14, v10;
	v60 =	vadd.f32 v58, v6;
	[tilespmem:$0x8010] =	vst v4  }
0x1ad: {  	v62 =	vadd.f32 v59, v9;
	v3 =	vadd.f32 v12, v3;
	[tilespmem:$0x8020] =	vst v5  }
0x1ae: {  	v63 =	vadd.f32 v11, v8;
	v6 =	vadd.f32 v61, v7;
	[tilespmem:$0x8030] =	vst v60  }
0x1af: {  	v1 =	vadd.f32 v62, v1;
	[tilespmem:$0x8040] =	vst v3  }
0x1b0: {  	v0 =	vadd.f32 v63, v0;
	[tilespmem:$0x8050] =	vst v6  }
0x1b1: {  	[tilespmem:$0x8060] =	vst v1  }
0x1b2: {  	[tilespmem:$0x8070] =	vst v0  }
0x1b3: {  	[spmem:s7] =	stream.linear.scatter [tilespmem:s14], [sflag:$0x3], $0x80, $0x38;
	[tilespmem:$0x8300] =	vst v63  }
.Ltmp6:
0x1b4: {  	_ =	swait.ge [sflag:s15], $0x80;
	(pc) =	sbr.rel @p0 .LBB2_11-.Ltmp6, $3  }
0x1b5: {  	[sflag:s15] =	ssyncset.done $0x0  }
0x1b6: {  	[sflag:s15] =	ssyncadd.s32 $0xFFFFFF80  }
0x1b7: {  	[bflag:$0x0] =	sbarrier.arrive $0xFFFF;
	_ =	sdelay $0x1  }
0x1b8: {  	[tilespmem:s16], [sflag:$0x3] =	stream.linear.gather [spmem:s8], $0x200, $0x38;
	[tilespmem:$0x8300] =	vst v63  }
0x1b9: {  	_ =	swait.ge [sflag:s15], $0x200  }
0x1ba: {  	[sflag:s15] =	ssyncset.done $0x0  }
0x1bb: {  	[sflag:s15] =	ssyncadd.s32 $0xFFFFFE00  }
0x1bc: {  	v0 =	vld [tilespmem:$0x8080]  }
0x1bd: {  	v1 =	vld [tilespmem:$0x8100]  }
0x1be: {  	v2 =	vld [tilespmem:$0x8180]  }
0x1bf: {  	v3 =	vld [tilespmem:$0x8200]  }
0x1c0: {  	v4 =	vld [tilespmem:$0x8090]  }
0x1c1: {  	v5 =	vld [tilespmem:$0x8110]  }
0x1c2: {  	v6 =	vld [tilespmem:$0x8190]  }
0x1c3: {  	v7 =	vld [tilespmem:$0x8210]  }
0x1c4: {  	v8 =	vld [tilespmem:$0x80A0]  }
0x1c5: {  	v9 =	vld [tilespmem:$0x8120]  }
0x1c6: {  	v10 =	vld [tilespmem:$0x81A0]  }
0x1c7: {  	v11 =	vld [tilespmem:$0x8220]  }
0x1c8: {  	v12 =	vld [tilespmem:$0x80B0]  }
0x1c9: {  	v13 =	vld [tilespmem:$0x8130]  }
0x1ca: {  	v14 =	vld [tilespmem:$0x81B0]  }
0x1cb: {  	v15 =	vld [tilespmem:$0x8230]  }
0x1cc: {  	v16 =	vld [tilespmem:$0x80C0]  }
0x1cd: {  	v17 =	vld [tilespmem:$0x8140]  }
0x1ce: {  	v18 =	vld [tilespmem:$0x81C0]  }
0x1cf: {  	v19 =	vld [tilespmem:$0x8240]  }
0x1d0: {  	v20 =	vld [tilespmem:$0x80D0]  }
0x1d1: {  	v21 =	vld [tilespmem:$0x8150]  }
0x1d2: {  	v22 =	vld [tilespmem:$0x81D0]  }
0x1d3: {  	v23 =	vld [tilespmem:$0x8250]  }
0x1d4: {  	v24 =	vld [tilespmem:$0x80E0]  }
0x1d5: {  	v36 =	vld [tilespmem:$0x8160]  }
0x1d6: {  	v39 =	vld [tilespmem:$0x81E0];
	v0 =	vadd.f32 v1, v0;
	v35 =	vadd.f32 v3, v2  }
0x1d7: {  	v40 =	vld [tilespmem:$0x8260];
	v37 =	vadd.f32 v5, v4;
	v38 =	vadd.f32 v7, v6  }
0x1d8: {  	v42 =	vld [tilespmem:$0x80F0];
	v43 =	vadd.f32 v9, v8;
	v44 =	vadd.f32 v11, v10  }
0x1d9: {  	v45 =	vld [tilespmem:$0x8170];
	v46 =	vadd.f32 v13, v12;
	v47 =	vadd.f32 v15, v14  }
0x1da: {  	v48 =	vld [tilespmem:$0x81F0];
	v49 =	vadd.f32 v17, v16;
	v50 =	vadd.f32 v19, v18  }
0x1db: {  	v51 =	vld [tilespmem:$0x8270];
	v52 =	vadd.f32 v21, v20;
	v0 =	vadd.f32 v35, v0  }
0x1dc: {  	v53 =	vadd.f32 v23, v22;
	v41 =	vadd.f32 v38, v37  }
0x1dd: {  	v57 =	vadd.f32 v36, v24;
	v4 =	vadd.f32 v44, v43;
	v0 =	vmul.f32 $4.882812500e-04, v0  }
0x1de: {  	v58 =	vadd.f32 v40, v39;
	v54 =	vadd.f32 v47, v46;
	v1 =	vmul.f32 $4.882812500e-04, v41  }
0x1df: {  	v59 =	vadd.f32 v45, v42;
	v55 =	vadd.f32 v50, v49;
	v4 =	vmul.f32 $4.882812500e-04, v4;
	[tilespmem:$0x8000] =	vst v0  }
0x1e0: {  	v60 =	vadd.f32 v51, v48;
	v56 =	vadd.f32 v53, v52;
	v61 =	vmul.f32 $4.882812500e-04, v54;
	[tilespmem:$0x8010] =	vst v1  }
0x1e1: {  	v62 =	vmul.f32 $4.882812500e-04, v55;
	[tilespmem:$0x8020] =	vst v4;
	v0 =	vadd.f32 v58, v57  }
0x1e2: {  	v63 =	vmul.f32 $4.882812500e-04, v56;
	[tilespmem:$0x8030] =	vst v61;
	v1 =	vadd.f32 v60, v59  }
0x1e3: {  	[tilespmem:$0x8040] =	vst v62;
	v0 =	vmul.f32 $4.882812500e-04, v0  }
0x1e4: {  	[tilespmem:$0x8050] =	vst v63;
	v1 =	vmul.f32 $4.882812500e-04, v1  }
0x1e5: {  	[tilespmem:$0x8060] =	vst v0  }
.Ltmp7:
0x1e6: {  	[tilespmem:$0x8070] =	vst v1;
	(pc) =	sbr.rel .LBB2_11-.Ltmp7, $4  }
0x1e7: {  	[hbm4b:s9+s2] =	stream.linear.scatter [tilespmem:s14], [sflag:$0x3], $0x80, $0x38;
	[tilespmem:$0x8300] =	vst v63  }
0x1e8: {  	_ =	swait.ge [sflag:s15], $0x80  }
0x1e9: {  	[sflag:s15] =	ssyncset.done $0x0  }
0x1ea: {  	[sflag:s15] =	ssyncadd.s32 $0xFFFFFF80  }
.LBB2_12:
0x1eb: {  	_ =	sfence.sel $0x180000  }
0x1ec: {  	[bflag:$0x0] =	sbarrier.arrive $0xFFFF  }
0x1ed: {  	p0 =	sne.s32 s1, $0x0;
	_ =	strace $0x90000047  }
0x1ee: {  	s0 =	sadd.s32 @!p0 $0x100000, s0;
	[bflag:$0x2] =	sbarrier.arrive $0xFFFF  }
0x1ef: {  	[sflag:s0] =	ssyncadd.tile.s32 @!p0 $0x1;
	_ =	shalt  }
.Lfunc_end2:
_tile_overlayer_lowered:
.L_overlay_start_2:
0x1f0: {  	(tag) =	ssettag $0x2  }
0x1f1: {  	s0 =	rddreg [dreg:$0x0];
	s2 =	stileid.u32  }
0x1f2: {  	s1 =	rddreg [dreg:$0x1];
	p0 =	sne.s32 s2, $0x0  }
0x1f3: {  	s3 =	rddreg [dreg:$0x2];
	[bflag:$0x3] =	sbarrier.arrive $0xFFFF;
	s2 =	simm.s32 @!p0 $0x1C03  }
0x1f4: {  	[timem:s3], [sflag:s2] =	dma.local @!p0 [hbm:s0], s1  }
0x1f5: {  	s0 =	simm.s32 @!p0 $0x3  }
0x1f6: {  	_ =	swait.ge @!p0 [sflag:s0], s1  }
0x1f7: {  	s1 =	ssub.s32 @!p0 $0x0, s1;
	[sflag:s0] =	ssyncset.done @!p0 $0x0  }
0x1f8: {  	[sflag:s0] =	ssyncadd.s32 @!p0 s1  }
0x1f9: {  	[bflag:$0x3] =	sbarrier.arrive $0xFFFF  }
0x1fa: {  	_ =	shalt  }

</sc_bundles>
